<compile_context>
chip_gen: v7x
topology: tpu7x:2x2x1
jax: 0.10.2.dev20260603
libtpu: 0.0.44.dev20260713+nightly
codegen_flags: <defaults>
</compile_context>

<pallas_src>
import functools

import jax
import jax.numpy as jnp
from jax import lax
from jax.experimental import pallas as pl
from jax.experimental.pallas import tpu as pltpu
from jax.experimental.pallas import tpu_sc as plsc

_NUM_CORES = 2
_NUM_SUBCORES = 16
_NW = _NUM_CORES * _NUM_SUBCORES
_LANES = 16
_IDX_CHUNK = 80


@functools.partial(jax.jit, static_argnums=(2, 3, 4))
def _mean_embed_sc(idx_flat, table, B, C, D):
    rows_per_w = (B // _NW) * C
    b_per_w = B // _NW
    n_chunks = rows_per_w // _IDX_CHUNK
    V = table.shape[0]
    table_pad = jnp.pad(table.T, ((0, 128 - D), (0, 0))).T
    DP = table_pad.shape[1]
    idx3 = idx_flat.reshape(_NW, n_chunks, _IDX_CHUNK)
    mesh = plsc.VectorSubcoreMesh(
        core_axis_name="c", subcore_axis_name="s",
        num_cores=_NUM_CORES, num_subcores=_NUM_SUBCORES)

    @functools.partial(
        pl.kernel,
        mesh=mesh,
        out_type=jax.ShapeDtypeStruct((B, D), jnp.float32),
        scratch_types=[
            pltpu.VMEM((n_chunks, _IDX_CHUNK), jnp.int32),
            pltpu.VMEM((rows_per_w, DP), jnp.float32),
            pltpu.VMEM((b_per_w, D), jnp.float32),
            pltpu.SemaphoreType.DMA,
            pltpu.SemaphoreType.DMA,
        ],
    )
    def sc_kernel(idx_hbm, table_hbm, out_hbm, idx_v, rows_v, out_v,
                  sem_a, sem_b):
        wid = lax.axis_index("s") * _NUM_CORES + lax.axis_index("c")
        pltpu.sync_copy(idx_hbm.at[wid], idx_v)
        half = n_chunks // 2
        copies = []
        for k in range(n_chunks):
            copies.append(pltpu.async_copy(
                table_hbm.at[idx_v.at[k]],
                rows_v.at[pl.ds(k * _IDX_CHUNK, _IDX_CHUNK)],
                sem_a if k < half else sem_b))

        inv = jnp.float32(1.0 / C)

        def body(b, carry):
            r0 = b * C
            for d in range(D // _LANES):
                sl = pl.ds(d * _LANES, _LANES)
                acc = rows_v[r0, sl]
                for j in range(1, C):
                    acc = acc + rows_v[r0 + j, sl]
                out_v[b, sl] = acc * inv
            return carry

        b_half = (half * _IDX_CHUNK) // C
        for c in copies[:half]:
            c.wait()
        lax.fori_loop(0, b_half, body, 0)
        for c in copies[half:]:
            c.wait()
        lax.fori_loop(b_half, b_per_w, body, 0)
        pltpu.sync_copy(out_v, out_hbm.at[pl.ds(wid * b_per_w, b_per_w)])

    return sc_kernel(idx3, table_pad)


def _mm_body(wt_ref, mean_ref, b_ref, out_ref):
    acc = lax.dot_general(
        wt_ref[...], mean_ref[...],
        (((0,), (1,)), ((), ())),
        preferred_element_type=jnp.float32)
    out_ref[...] = acc + jnp.transpose(b_ref[...])


@functools.partial(jax.jit, static_argnums=(3,))
def _project_tc(mean, Wt, b, block_v):
    B, D = mean.shape
    V = Wt.shape[1]
    n_blocks = pl.cdiv(V, block_v)
    out_t = pl.pallas_call(
        _mm_body,
        grid=(n_blocks,),
        in_specs=[
            pl.BlockSpec((D, block_v), lambda i: (0, i)),
            pl.BlockSpec((B, D), lambda i: (0, 0)),
            pl.BlockSpec((1, block_v), lambda i: (0, i)),
        ],
        out_specs=pl.BlockSpec((block_v, B), lambda i: (i, 0)),
        out_shape=jax.ShapeDtypeStruct((V, B), jnp.float32),
    )(Wt, mean, b.reshape(1, V))
    return out_t.T


def kernel(context_words, embedding, W, b):
    B, C = context_words.shape
    V, D = embedding.shape
    idx_flat = context_words.reshape(B * C).astype(jnp.int32)
    mean = _mean_embed_sc(idx_flat, embedding, B, C, D)
    return _project_tc(mean, W.T, b, 4096)

# --- scband reference (transcript-rebuilt; emitter-appended) ---
"""Pipeline reference for scband-cbowmodel-68427418960312 (READ-ONLY COPY).

The authoritative reference and input builder live on the scoring server;
editing this copy changes nothing except your own understanding.
"""

import jax, jax.numpy as jnp
import numpy as np

VOCAB = 100000
EMBED_DIM = 64
BATCH = 1024
CTX = 20

def setup_inputs(seed: int = 0) -> dict:
    key = jax.random.key(seed)
    k1, k2, k3, k4 = jax.random.split(key, 4)
    context_words = jax.random.randint(k1, (BATCH, CTX), 0, VOCAB, dtype=jnp.int64)
    embedding = jax.random.normal(k2, (VOCAB, EMBED_DIM), dtype=jnp.float32)
    # torch nn.Linear(embedding_dim, vocab_size): weight [vocab, embed_dim], bias [vocab]
    bound = 1.0 / np.sqrt(EMBED_DIM)
    W = jax.random.uniform(k3, (VOCAB, EMBED_DIM), dtype=jnp.float32, minval=-bound, maxval=bound)
    b = jax.random.uniform(k4, (VOCAB,), dtype=jnp.float32, minval=-bound, maxval=bound)
    return {"context_words": context_words, "embedding": embedding, "W": W, "b": b}

def reference(context_words, embedding, W, b):
    # embeds: [B, CTX, D] via gather
    embeds = jnp.take(embedding, context_words, axis=0)
    mean_embed = jnp.mean(embeds, axis=1)  # [B, D]
    out = mean_embed @ W.T + b  # [B, VOCAB]
    return out

if __name__ == "__main__":
    import jax
    _d = setup_inputs()
    print(jax.jit(kernel)(*tuple(_d.values())))

</pallas_src>

<mosaic_0001>
#map = affine_map<(d0, d1) -> (0, 0, 0)>
#map1 = affine_map<(d0, d1) -> (0, 0)>
module attributes {stable_mosaic.version = 14 : i64} {
  func.func @sc_kernel(%arg0: i32, %arg1: i32, %arg2: memref<32x8x80xi32, #tpu.memory_space<hbm>>, %arg3: memref<100000x128xf32, #tpu.memory_space<hbm>>, %arg4: memref<1024x64xf32, #tpu.memory_space<hbm>>, %arg5: memref<8x80xi32, #tpu.memory_space<vmem>>, %arg6: memref<640x128xf32, #tpu.memory_space<vmem>>, %arg7: memref<32x64xf32, #tpu.memory_space<vmem>>, %arg8: memref<!tpu.dma_semaphore, #tpu.memory_space<semaphore_mem>>, %arg9: memref<!tpu.dma_semaphore, #tpu.memory_space<semaphore_mem>>) attributes {dimension_semantics = [#tpu.dimension_semantics<core_parallel>, #tpu.dimension_semantics<subcore_parallel>], iteration_bounds = array<i64: 2, 16>, scalar_prefetch = 0 : i64, scratch_operands = 5 : i64, tpu.core_type = #tpu.core_type<sc_vector_subcore>, window_params = [{transform_indices = #map}, {transform_indices = #map1}, {transform_indices = #map1}]} {
    %mul3A = arith.constant 2 : i32
    %mul3A_0 = arith.muli %arg1, %mul3A : i32
    %add3A = arith.addi %mul3A_0, %arg0 : i32
    "tpu.region"() ({
      %run_scoped3A = tpu.sem_alloc : memref<!tpu.dma_semaphore, #tpu.memory_space<semaphore_mem>>
      %dma_start3A_174 = arith.constant 0 : i32
      %dma_start3A_175 = arith.constant 0 : i32
      %dma_start3A_176 = tpu.memref_slice %arg2[%add3A, %dma_start3A_174, %dma_start3A_175] : memref<32x8x80xi32, #tpu.memory_space<hbm>> -> memref<1x8x80xi32, #tpu.memory_space<hbm>>
      %dma_start3A_177 = tpu.memref_squeeze %dma_start3A_176 : memref<1x8x80xi32, #tpu.memory_space<hbm>> -> memref<8x80xi32, #tpu.memory_space<hbm>>
      %dma_start3A_178 = arith.constant 0 : i32
      %dma_start3A_179 = arith.constant 0 : i32
      %dma_start3A_180 = tpu.memref_slice %arg2[%add3A, %dma_start3A_178, %dma_start3A_179] : memref<32x8x80xi32, #tpu.memory_space<hbm>> -> memref<1x8x80xi32, #tpu.memory_space<hbm>>
      %dma_start3A_181 = tpu.memref_squeeze %dma_start3A_180 : memref<1x8x80xi32, #tpu.memory_space<hbm>> -> memref<8x80xi32, #tpu.memory_space<hbm>>
      tpu.enqueue_dma source(%dma_start3A_181 : memref<8x80xi32, #tpu.memory_space<hbm>>) target(%arg5 : memref<8x80xi32, #tpu.memory_space<vmem>>) target_semaphore(%run_scoped3A : memref<!tpu.dma_semaphore, #tpu.memory_space<semaphore_mem>>)
      %dma_wait3A_182 = arith.constant 0 : i32
      %dma_wait3A_183 = arith.constant 0 : i32
      %dma_wait3A_184 = tpu.memref_slice %arg2[%add3A, %dma_wait3A_182, %dma_wait3A_183] : memref<32x8x80xi32, #tpu.memory_space<hbm>> -> memref<1x8x80xi32, #tpu.memory_space<hbm>>
      %dma_wait3A_185 = tpu.memref_squeeze %dma_wait3A_184 : memref<1x8x80xi32, #tpu.memory_space<hbm>> -> memref<8x80xi32, #tpu.memory_space<hbm>>
      %dma_wait3A_186 = arith.constant 0 : i32
      %dma_wait3A_187 = arith.constant 0 : i32
      %dma_wait3A_188 = tpu.memref_slice %arg2[%add3A, %dma_wait3A_186, %dma_wait3A_187] : memref<32x8x80xi32, #tpu.memory_space<hbm>> -> memref<1x8x80xi32, #tpu.memory_space<hbm>>
      %dma_wait3A_189 = tpu.memref_squeeze %dma_wait3A_188 : memref<1x8x80xi32, #tpu.memory_space<hbm>> -> memref<8x80xi32, #tpu.memory_space<hbm>>
      tpu.wait_dma2 semaphore(%run_scoped3A : memref<!tpu.dma_semaphore, #tpu.memory_space<semaphore_mem>>) src(%dma_wait3A_189 : memref<8x80xi32, #tpu.memory_space<hbm>>) dst(%arg5 : memref<8x80xi32, #tpu.memory_space<vmem>>)
      tpu.yield
    }) : () -> ()
    %dma_start3A = arith.constant 0 : i32
    %dma_start3A_1 = arith.constant 0 : i32
    %dma_start3A_2 = arith.constant 0 : i32
    %dma_start3A_3 = tpu.memref_slice %arg6[%dma_start3A_1, %dma_start3A_2] : memref<640x128xf32, #tpu.memory_space<vmem>> -> memref<80x128xf32, #tpu.memory_space<vmem>>
    %dma_start3A_4 = arith.constant 0 : i32
    %dma_start3A_5 = tpu.memref_slice %arg5[%dma_start3A, %dma_start3A_4] : memref<8x80xi32, #tpu.memory_space<vmem>> -> memref<1x80xi32, #tpu.memory_space<vmem>>
    %dma_start3A_6 = tpu.memref_squeeze %dma_start3A_5 : memref<1x80xi32, #tpu.memory_space<vmem>> -> memref<80xi32, #tpu.memory_space<vmem>>
    %dma_start3A_7 = arith.constant 0 : i32
    %dma_start3A_8 = arith.constant 0 : i32
    %dma_start3A_9 = tpu.memref_slice %arg3[%dma_start3A_7, %dma_start3A_8] : memref<100000x128xf32, #tpu.memory_space<hbm>> -> memref<100000x128xf32, #tpu.memory_space<hbm>>
    tpu.enqueue_indirect_dma source(%dma_start3A_9 : memref<100000x128xf32, #tpu.memory_space<hbm>>) target(%dma_start3A_3 : memref<80x128xf32, #tpu.memory_space<vmem>>) offsets(%dma_start3A_6 : memref<80xi32, #tpu.memory_space<vmem>>) semaphore(%arg8 : memref<!tpu.dma_semaphore, #tpu.memory_space<semaphore_mem>>)
    %dma_start3A_10 = arith.constant 1 : i32
    %dma_start3A_11 = arith.constant 80 : i32
    %dma_start3A_12 = arith.constant 0 : i32
    %dma_start3A_13 = tpu.memref_slice %arg6[%dma_start3A_11, %dma_start3A_12] : memref<640x128xf32, #tpu.memory_space<vmem>> -> memref<80x128xf32, #tpu.memory_space<vmem>>
    %dma_start3A_14 = arith.constant 0 : i32
    %dma_start3A_15 = tpu.memref_slice %arg5[%dma_start3A_10, %dma_start3A_14] : memref<8x80xi32, #tpu.memory_space<vmem>> -> memref<1x80xi32, #tpu.memory_space<vmem>>
    %dma_start3A_16 = tpu.memref_squeeze %dma_start3A_15 : memref<1x80xi32, #tpu.memory_space<vmem>> -> memref<80xi32, #tpu.memory_space<vmem>>
    %dma_start3A_17 = arith.constant 0 : i32
    %dma_start3A_18 = arith.constant 0 : i32
    %dma_start3A_19 = tpu.memref_slice %arg3[%dma_start3A_17, %dma_start3A_18] : memref<100000x128xf32, #tpu.memory_space<hbm>> -> memref<100000x128xf32, #tpu.memory_space<hbm>>
    tpu.enqueue_indirect_dma source(%dma_start3A_19 : memref<100000x128xf32, #tpu.memory_space<hbm>>) target(%dma_start3A_13 : memref<80x128xf32, #tpu.memory_space<vmem>>) offsets(%dma_start3A_16 : memref<80xi32, #tpu.memory_space<vmem>>) semaphore(%arg8 : memref<!tpu.dma_semaphore, #tpu.memory_space<semaphore_mem>>)
    %dma_start3A_20 = arith.constant 2 : i32
    %dma_start3A_21 = arith.constant 160 : i32
    %dma_start3A_22 = arith.constant 0 : i32
    %dma_start3A_23 = tpu.memref_slice %arg6[%dma_start3A_21, %dma_start3A_22] : memref<640x128xf32, #tpu.memory_space<vmem>> -> memref<80x128xf32, #tpu.memory_space<vmem>>
    %dma_start3A_24 = arith.constant 0 : i32
    %dma_start3A_25 = tpu.memref_slice %arg5[%dma_start3A_20, %dma_start3A_24] : memref<8x80xi32, #tpu.memory_space<vmem>> -> memref<1x80xi32, #tpu.memory_space<vmem>>
    %dma_start3A_26 = tpu.memref_squeeze %dma_start3A_25 : memref<1x80xi32, #tpu.memory_space<vmem>> -> memref<80xi32, #tpu.memory_space<vmem>>
    %dma_start3A_27 = arith.constant 0 : i32
    %dma_start3A_28 = arith.constant 0 : i32
    %dma_start3A_29 = tpu.memref_slice %arg3[%dma_start3A_27, %dma_start3A_28] : memref<100000x128xf32, #tpu.memory_space<hbm>> -> memref<100000x128xf32, #tpu.memory_space<hbm>>
    tpu.enqueue_indirect_dma source(%dma_start3A_29 : memref<100000x128xf32, #tpu.memory_space<hbm>>) target(%dma_start3A_23 : memref<80x128xf32, #tpu.memory_space<vmem>>) offsets(%dma_start3A_26 : memref<80xi32, #tpu.memory_space<vmem>>) semaphore(%arg8 : memref<!tpu.dma_semaphore, #tpu.memory_space<semaphore_mem>>)
    %dma_start3A_30 = arith.constant 3 : i32
    %dma_start3A_31 = arith.constant 240 : i32
    %dma_start3A_32 = arith.constant 0 : i32
    %dma_start3A_33 = tpu.memref_slice %arg6[%dma_start3A_31, %dma_start3A_32] : memref<640x128xf32, #tpu.memory_space<vmem>> -> memref<80x128xf32, #tpu.memory_space<vmem>>
    %dma_start3A_34 = arith.constant 0 : i32
    %dma_start3A_35 = tpu.memref_slice %arg5[%dma_start3A_30, %dma_start3A_34] : memref<8x80xi32, #tpu.memory_space<vmem>> -> memref<1x80xi32, #tpu.memory_space<vmem>>
    %dma_start3A_36 = tpu.memref_squeeze %dma_start3A_35 : memref<1x80xi32, #tpu.memory_space<vmem>> -> memref<80xi32, #tpu.memory_space<vmem>>
    %dma_start3A_37 = arith.constant 0 : i32
    %dma_start3A_38 = arith.constant 0 : i32
    %dma_start3A_39 = tpu.memref_slice %arg3[%dma_start3A_37, %dma_start3A_38] : memref<100000x128xf32, #tpu.memory_space<hbm>> -> memref<100000x128xf32, #tpu.memory_space<hbm>>
    tpu.enqueue_indirect_dma source(%dma_start3A_39 : memref<100000x128xf32, #tpu.memory_space<hbm>>) target(%dma_start3A_33 : memref<80x128xf32, #tpu.memory_space<vmem>>) offsets(%dma_start3A_36 : memref<80xi32, #tpu.memory_space<vmem>>) semaphore(%arg8 : memref<!tpu.dma_semaphore, #tpu.memory_space<semaphore_mem>>)
    %dma_start3A_40 = arith.constant 4 : i32
    %dma_start3A_41 = arith.constant 320 : i32
    %dma_start3A_42 = arith.constant 0 : i32
    %dma_start3A_43 = tpu.memref_slice %arg6[%dma_start3A_41, %dma_start3A_42] : memref<640x128xf32, #tpu.memory_space<vmem>> -> memref<80x128xf32, #tpu.memory_space<vmem>>
    %dma_start3A_44 = arith.constant 0 : i32
    %dma_start3A_45 = tpu.memref_slice %arg5[%dma_start3A_40, %dma_start3A_44] : memref<8x80xi32, #tpu.memory_space<vmem>> -> memref<1x80xi32, #tpu.memory_space<vmem>>
    %dma_start3A_46 = tpu.memref_squeeze %dma_start3A_45 : memref<1x80xi32, #tpu.memory_space<vmem>> -> memref<80xi32, #tpu.memory_space<vmem>>
    %dma_start3A_47 = arith.constant 0 : i32
    %dma_start3A_48 = arith.constant 0 : i32
    %dma_start3A_49 = tpu.memref_slice %arg3[%dma_start3A_47, %dma_start3A_48] : memref<100000x128xf32, #tpu.memory_space<hbm>> -> memref<100000x128xf32, #tpu.memory_space<hbm>>
    tpu.enqueue_indirect_dma source(%dma_start3A_49 : memref<100000x128xf32, #tpu.memory_space<hbm>>) target(%dma_start3A_43 : memref<80x128xf32, #tpu.memory_space<vmem>>) offsets(%dma_start3A_46 : memref<80xi32, #tpu.memory_space<vmem>>) semaphore(%arg9 : memref<!tpu.dma_semaphore, #tpu.memory_space<semaphore_mem>>)
    %dma_start3A_50 = arith.constant 5 : i32
    %dma_start3A_51 = arith.constant 400 : i32
    %dma_start3A_52 = arith.constant 0 : i32
    %dma_start3A_53 = tpu.memref_slice %arg6[%dma_start3A_51, %dma_start3A_52] : memref<640x128xf32, #tpu.memory_space<vmem>> -> memref<80x128xf32, #tpu.memory_space<vmem>>
    %dma_start3A_54 = arith.constant 0 : i32
    %dma_start3A_55 = tpu.memref_slice %arg5[%dma_start3A_50, %dma_start3A_54] : memref<8x80xi32, #tpu.memory_space<vmem>> -> memref<1x80xi32, #tpu.memory_space<vmem>>
    %dma_start3A_56 = tpu.memref_squeeze %dma_start3A_55 : memref<1x80xi32, #tpu.memory_space<vmem>> -> memref<80xi32, #tpu.memory_space<vmem>>
    %dma_start3A_57 = arith.constant 0 : i32
    %dma_start3A_58 = arith.constant 0 : i32
    %dma_start3A_59 = tpu.memref_slice %arg3[%dma_start3A_57, %dma_start3A_58] : memref<100000x128xf32, #tpu.memory_space<hbm>> -> memref<100000x128xf32, #tpu.memory_space<hbm>>
    tpu.enqueue_indirect_dma source(%dma_start3A_59 : memref<100000x128xf32, #tpu.memory_space<hbm>>) target(%dma_start3A_53 : memref<80x128xf32, #tpu.memory_space<vmem>>) offsets(%dma_start3A_56 : memref<80xi32, #tpu.memory_space<vmem>>) semaphore(%arg9 : memref<!tpu.dma_semaphore, #tpu.memory_space<semaphore_mem>>)
    %dma_start3A_60 = arith.constant 6 : i32
    %dma_start3A_61 = arith.constant 480 : i32
    %dma_start3A_62 = arith.constant 0 : i32
    %dma_start3A_63 = tpu.memref_slice %arg6[%dma_start3A_61, %dma_start3A_62] : memref<640x128xf32, #tpu.memory_space<vmem>> -> memref<80x128xf32, #tpu.memory_space<vmem>>
    %dma_start3A_64 = arith.constant 0 : i32
    %dma_start3A_65 = tpu.memref_slice %arg5[%dma_start3A_60, %dma_start3A_64] : memref<8x80xi32, #tpu.memory_space<vmem>> -> memref<1x80xi32, #tpu.memory_space<vmem>>
    %dma_start3A_66 = tpu.memref_squeeze %dma_start3A_65 : memref<1x80xi32, #tpu.memory_space<vmem>> -> memref<80xi32, #tpu.memory_space<vmem>>
    %dma_start3A_67 = arith.constant 0 : i32
    %dma_start3A_68 = arith.constant 0 : i32
    %dma_start3A_69 = tpu.memref_slice %arg3[%dma_start3A_67, %dma_start3A_68] : memref<100000x128xf32, #tpu.memory_space<hbm>> -> memref<100000x128xf32, #tpu.memory_space<hbm>>
    tpu.enqueue_indirect_dma source(%dma_start3A_69 : memref<100000x128xf32, #tpu.memory_space<hbm>>) target(%dma_start3A_63 : memref<80x128xf32, #tpu.memory_space<vmem>>) offsets(%dma_start3A_66 : memref<80xi32, #tpu.memory_space<vmem>>) semaphore(%arg9 : memref<!tpu.dma_semaphore, #tpu.memory_space<semaphore_mem>>)
    %dma_start3A_70 = arith.constant 7 : i32
    %dma_start3A_71 = arith.constant 560 : i32
    %dma_start3A_72 = arith.constant 0 : i32
    %dma_start3A_73 = tpu.memref_slice %arg6[%dma_start3A_71, %dma_start3A_72] : memref<640x128xf32, #tpu.memory_space<vmem>> -> memref<80x128xf32, #tpu.memory_space<vmem>>
    %dma_start3A_74 = arith.constant 0 : i32
    %dma_start3A_75 = tpu.memref_slice %arg5[%dma_start3A_70, %dma_start3A_74] : memref<8x80xi32, #tpu.memory_space<vmem>> -> memref<1x80xi32, #tpu.memory_space<vmem>>
    %dma_start3A_76 = tpu.memref_squeeze %dma_start3A_75 : memref<1x80xi32, #tpu.memory_space<vmem>> -> memref<80xi32, #tpu.memory_space<vmem>>
    %dma_start3A_77 = arith.constant 0 : i32
    %dma_start3A_78 = arith.constant 0 : i32
    %dma_start3A_79 = tpu.memref_slice %arg3[%dma_start3A_77, %dma_start3A_78] : memref<100000x128xf32, #tpu.memory_space<hbm>> -> memref<100000x128xf32, #tpu.memory_space<hbm>>
    tpu.enqueue_indirect_dma source(%dma_start3A_79 : memref<100000x128xf32, #tpu.memory_space<hbm>>) target(%dma_start3A_73 : memref<80x128xf32, #tpu.memory_space<vmem>>) offsets(%dma_start3A_76 : memref<80xi32, #tpu.memory_space<vmem>>) semaphore(%arg9 : memref<!tpu.dma_semaphore, #tpu.memory_space<semaphore_mem>>)
    %dma_wait3A = arith.constant 0 : i32
    %dma_wait3A_80 = arith.constant 0 : i32
    %dma_wait3A_81 = arith.constant 0 : i32
    %dma_wait3A_82 = tpu.memref_slice %arg6[%dma_wait3A_80, %dma_wait3A_81] : memref<640x128xf32, #tpu.memory_space<vmem>> -> memref<80x128xf32, #tpu.memory_space<vmem>>
    %dma_wait3A_83 = arith.constant 0 : i32
    %dma_wait3A_84 = tpu.memref_slice %arg5[%dma_wait3A, %dma_wait3A_83] : memref<8x80xi32, #tpu.memory_space<vmem>> -> memref<1x80xi32, #tpu.memory_space<vmem>>
    %dma_wait3A_85 = tpu.memref_squeeze %dma_wait3A_84 : memref<1x80xi32, #tpu.memory_space<vmem>> -> memref<80xi32, #tpu.memory_space<vmem>>
    %dma_wait3A_86 = arith.constant 0 : i32
    %dma_wait3A_87 = arith.constant 0 : i32
    %dma_wait3A_88 = tpu.memref_slice %arg3[%dma_wait3A_86, %dma_wait3A_87] : memref<100000x128xf32, #tpu.memory_space<hbm>> -> memref<100000x128xf32, #tpu.memory_space<hbm>>
    tpu.wait_indirect_dma semaphore(%arg8 : memref<!tpu.dma_semaphore, #tpu.memory_space<semaphore_mem>>) src(%dma_wait3A_88 : memref<100000x128xf32, #tpu.memory_space<hbm>>) dst(%dma_wait3A_82 : memref<80x128xf32, #tpu.memory_space<vmem>>)
    %dma_wait3A_89 = arith.constant 1 : i32
    %dma_wait3A_90 = arith.constant 80 : i32
    %dma_wait3A_91 = arith.constant 0 : i32
    %dma_wait3A_92 = tpu.memref_slice %arg6[%dma_wait3A_90, %dma_wait3A_91] : memref<640x128xf32, #tpu.memory_space<vmem>> -> memref<80x128xf32, #tpu.memory_space<vmem>>
    %dma_wait3A_93 = arith.constant 0 : i32
    %dma_wait3A_94 = tpu.memref_slice %arg5[%dma_wait3A_89, %dma_wait3A_93] : memref<8x80xi32, #tpu.memory_space<vmem>> -> memref<1x80xi32, #tpu.memory_space<vmem>>
    %dma_wait3A_95 = tpu.memref_squeeze %dma_wait3A_94 : memref<1x80xi32, #tpu.memory_space<vmem>> -> memref<80xi32, #tpu.memory_space<vmem>>
    %dma_wait3A_96 = arith.constant 0 : i32
    %dma_wait3A_97 = arith.constant 0 : i32
    %dma_wait3A_98 = tpu.memref_slice %arg3[%dma_wait3A_96, %dma_wait3A_97] : memref<100000x128xf32, #tpu.memory_space<hbm>> -> memref<100000x128xf32, #tpu.memory_space<hbm>>
    tpu.wait_indirect_dma semaphore(%arg8 : memref<!tpu.dma_semaphore, #tpu.memory_space<semaphore_mem>>) src(%dma_wait3A_98 : memref<100000x128xf32, #tpu.memory_space<hbm>>) dst(%dma_wait3A_92 : memref<80x128xf32, #tpu.memory_space<vmem>>)
    %dma_wait3A_99 = arith.constant 2 : i32
    %dma_wait3A_100 = arith.constant 160 : i32
    %dma_wait3A_101 = arith.constant 0 : i32
    %dma_wait3A_102 = tpu.memref_slice %arg6[%dma_wait3A_100, %dma_wait3A_101] : memref<640x128xf32, #tpu.memory_space<vmem>> -> memref<80x128xf32, #tpu.memory_space<vmem>>
    %dma_wait3A_103 = arith.constant 0 : i32
    %dma_wait3A_104 = tpu.memref_slice %arg5[%dma_wait3A_99, %dma_wait3A_103] : memref<8x80xi32, #tpu.memory_space<vmem>> -> memref<1x80xi32, #tpu.memory_space<vmem>>
    %dma_wait3A_105 = tpu.memref_squeeze %dma_wait3A_104 : memref<1x80xi32, #tpu.memory_space<vmem>> -> memref<80xi32, #tpu.memory_space<vmem>>
    %dma_wait3A_106 = arith.constant 0 : i32
    %dma_wait3A_107 = arith.constant 0 : i32
    %dma_wait3A_108 = tpu.memref_slice %arg3[%dma_wait3A_106, %dma_wait3A_107] : memref<100000x128xf32, #tpu.memory_space<hbm>> -> memref<100000x128xf32, #tpu.memory_space<hbm>>
    tpu.wait_indirect_dma semaphore(%arg8 : memref<!tpu.dma_semaphore, #tpu.memory_space<semaphore_mem>>) src(%dma_wait3A_108 : memref<100000x128xf32, #tpu.memory_space<hbm>>) dst(%dma_wait3A_102 : memref<80x128xf32, #tpu.memory_space<vmem>>)
    %dma_wait3A_109 = arith.constant 3 : i32
    %dma_wait3A_110 = arith.constant 240 : i32
    %dma_wait3A_111 = arith.constant 0 : i32
    %dma_wait3A_112 = tpu.memref_slice %arg6[%dma_wait3A_110, %dma_wait3A_111] : memref<640x128xf32, #tpu.memory_space<vmem>> -> memref<80x128xf32, #tpu.memory_space<vmem>>
    %dma_wait3A_113 = arith.constant 0 : i32
    %dma_wait3A_114 = tpu.memref_slice %arg5[%dma_wait3A_109, %dma_wait3A_113] : memref<8x80xi32, #tpu.memory_space<vmem>> -> memref<1x80xi32, #tpu.memory_space<vmem>>
    %dma_wait3A_115 = tpu.memref_squeeze %dma_wait3A_114 : memref<1x80xi32, #tpu.memory_space<vmem>> -> memref<80xi32, #tpu.memory_space<vmem>>
    %dma_wait3A_116 = arith.constant 0 : i32
    %dma_wait3A_117 = arith.constant 0 : i32
    %dma_wait3A_118 = tpu.memref_slice %arg3[%dma_wait3A_116, %dma_wait3A_117] : memref<100000x128xf32, #tpu.memory_space<hbm>> -> memref<100000x128xf32, #tpu.memory_space<hbm>>
    tpu.wait_indirect_dma semaphore(%arg8 : memref<!tpu.dma_semaphore, #tpu.memory_space<semaphore_mem>>) src(%dma_wait3A_118 : memref<100000x128xf32, #tpu.memory_space<hbm>>) dst(%dma_wait3A_112 : memref<80x128xf32, #tpu.memory_space<vmem>>)
    %scan3A = arith.constant 0 : i32
    %scan3A_119 = arith.constant 5.000000e-02 : f32
    %scan3A_120 = arith.constant 0 : i32
    %scan3A_121 = arith.constant 16 : i32
    %scan3A_122 = arith.addi %scan3A_120, %scan3A_121 : i32
    %scan3A_123 = arith.constant 1 : i32
    scf.for %scan3A_174 = %scan3A_120 to %scan3A_122 step %scan3A_123  : i32 {
      %mul3A_175 = arith.constant 20 : i32
      %mul3A_176 = arith.muli %scan3A_174, %mul3A_175 : i32
      %get3A = arith.index_cast %mul3A_176 : i32 to index
      %get3A_177 = arith.constant 0 : index
      %get3A_178 = tpu.vector_load %arg6[%get3A, %get3A_177] {strides = array<i32>} : memref<640x128xf32, #tpu.memory_space<vmem>>, vector<1x16xf32>,
      %get3A_179 = vector.shape_cast %get3A_178 : vector<1x16xf32> to vector<16xf32>
      %add3A_180 = arith.constant 1 : i32
      %add3A_181 = arith.addi %mul3A_176, %add3A_180 : i32
      %get3A_182 = arith.index_cast %add3A_181 : i32 to index
      %get3A_183 = arith.constant 0 : index
      %get3A_184 = tpu.vector_load %arg6[%get3A_182, %get3A_183] {strides = array<i32>} : memref<640x128xf32, #tpu.memory_space<vmem>>, vector<1x16xf32>,
      %get3A_185 = vector.shape_cast %get3A_184 : vector<1x16xf32> to vector<16xf32>
      %add3A_186 = arith.addf %get3A_179, %get3A_185 : vector<16xf32>
      %add3A_187 = arith.constant 2 : i32
      %add3A_188 = arith.addi %mul3A_176, %add3A_187 : i32
      %get3A_189 = arith.index_cast %add3A_188 : i32 to index
      %get3A_190 = arith.constant 0 : index
      %get3A_191 = tpu.vector_load %arg6[%get3A_189, %get3A_190] {strides = array<i32>} : memref<640x128xf32, #tpu.memory_space<vmem>>, vector<1x16xf32>,
      %get3A_192 = vector.shape_cast %get3A_191 : vector<1x16xf32> to vector<16xf32>
      %add3A_193 = arith.addf %add3A_186, %get3A_192 : vector<16xf32>
      %add3A_194 = arith.constant 3 : i32
      %add3A_195 = arith.addi %mul3A_176, %add3A_194 : i32
      %get3A_196 = arith.index_cast %add3A_195 : i32 to index
      %get3A_197 = arith.constant 0 : index
      %get3A_198 = tpu.vector_load %arg6[%get3A_196, %get3A_197] {strides = array<i32>} : memref<640x128xf32, #tpu.memory_space<vmem>>, vector<1x16xf32>,
      %get3A_199 = vector.shape_cast %get3A_198 : vector<1x16xf32> to vector<16xf32>
      %add3A_200 = arith.addf %add3A_193, %get3A_199 : vector<16xf32>
      %add3A_201 = arith.constant 4 : i32
      %add3A_202 = arith.addi %mul3A_176, %add3A_201 : i32
      %get3A_203 = arith.index_cast %add3A_202 : i32 to index
      %get3A_204 = arith.constant 0 : index
      %get3A_205 = tpu.vector_load %arg6[%get3A_203, %get3A_204] {strides = array<i32>} : memref<640x128xf32, #tpu.memory_space<vmem>>, vector<1x16xf32>,
      %get3A_206 = vector.shape_cast %get3A_205 : vector<1x16xf32> to vector<16xf32>
      %add3A_207 = arith.addf %add3A_200, %get3A_206 : vector<16xf32>
      %add3A_208 = arith.constant 5 : i32
      %add3A_209 = arith.addi %mul3A_176, %add3A_208 : i32
      %get3A_210 = arith.index_cast %add3A_209 : i32 to index
      %get3A_211 = arith.constant 0 : index
      %get3A_212 = tpu.vector_load %arg6[%get3A_210, %get3A_211] {strides = array<i32>} : memref<640x128xf32, #tpu.memory_space<vmem>>, vector<1x16xf32>,
      %get3A_213 = vector.shape_cast %get3A_212 : vector<1x16xf32> to vector<16xf32>
      %add3A_214 = arith.addf %add3A_207, %get3A_213 : vector<16xf32>
      %add3A_215 = arith.constant 6 : i32
      %add3A_216 = arith.addi %mul3A_176, %add3A_215 : i32
      %get3A_217 = arith.index_cast %add3A_216 : i32 to index
      %get3A_218 = arith.constant 0 : index
      %get3A_219 = tpu.vector_load %arg6[%get3A_217, %get3A_218] {strides = array<i32>} : memref<640x128xf32, #tpu.memory_space<vmem>>, vector<1x16xf32>,
      %get3A_220 = vector.shape_cast %get3A_219 : vector<1x16xf32> to vector<16xf32>
      %add3A_221 = arith.addf %add3A_214, %get3A_220 : vector<16xf32>
      %add3A_222 = arith.constant 7 : i32
      %add3A_223 = arith.addi %mul3A_176, %add3A_222 : i32
      %get3A_224 = arith.index_cast %add3A_223 : i32 to index
      %get3A_225 = arith.constant 0 : index
      %get3A_226 = tpu.vector_load %arg6[%get3A_224, %get3A_225] {strides = array<i32>} : memref<640x128xf32, #tpu.memory_space<vmem>>, vector<1x16xf32>,
      %get3A_227 = vector.shape_cast %get3A_226 : vector<1x16xf32> to vector<16xf32>
      %add3A_228 = arith.addf %add3A_221, %get3A_227 : vector<16xf32>
      %add3A_229 = arith.constant 8 : i32
      %add3A_230 = arith.addi %mul3A_176, %add3A_229 : i32
      %get3A_231 = arith.index_cast %add3A_230 : i32 to index
      %get3A_232 = arith.constant 0 : index
      %get3A_233 = tpu.vector_load %arg6[%get3A_231, %get3A_232] {strides = array<i32>} : memref<640x128xf32, #tpu.memory_space<vmem>>, vector<1x16xf32>,
      %get3A_234 = vector.shape_cast %get3A_233 : vector<1x16xf32> to vector<16xf32>
      %add3A_235 = arith.addf %add3A_228, %get3A_234 : vector<16xf32>
      %add3A_236 = arith.constant 9 : i32
      %add3A_237 = arith.addi %mul3A_176, %add3A_236 : i32
      %get3A_238 = arith.index_cast %add3A_237 : i32 to index
      %get3A_239 = arith.constant 0 : index
      %get3A_240 = tpu.vector_load %arg6[%get3A_238, %get3A_239] {strides = array<i32>} : memref<640x128xf32, #tpu.memory_space<vmem>>, vector<1x16xf32>,
      %get3A_241 = vector.shape_cast %get3A_240 : vector<1x16xf32> to vector<16xf32>
      %add3A_242 = arith.addf %add3A_235, %get3A_241 : vector<16xf32>
      %add3A_243 = arith.constant 10 : i32
      %add3A_244 = arith.addi %mul3A_176, %add3A_243 : i32
      %get3A_245 = arith.index_cast %add3A_244 : i32 to index
      %get3A_246 = arith.constant 0 : index
      %get3A_247 = tpu.vector_load %arg6[%get3A_245, %get3A_246] {strides = array<i32>} : memref<640x128xf32, #tpu.memory_space<vmem>>, vector<1x16xf32>,
      %get3A_248 = vector.shape_cast %get3A_247 : vector<1x16xf32> to vector<16xf32>
      %add3A_249 = arith.addf %add3A_242, %get3A_248 : vector<16xf32>
      %add3A_250 = arith.constant 11 : i32
      %add3A_251 = arith.addi %mul3A_176, %add3A_250 : i32
      %get3A_252 = arith.index_cast %add3A_251 : i32 to index
      %get3A_253 = arith.constant 0 : index
      %get3A_254 = tpu.vector_load %arg6[%get3A_252, %get3A_253] {strides = array<i32>} : memref<640x128xf32, #tpu.memory_space<vmem>>, vector<1x16xf32>,
      %get3A_255 = vector.shape_cast %get3A_254 : vector<1x16xf32> to vector<16xf32>
      %add3A_256 = arith.addf %add3A_249, %get3A_255 : vector<16xf32>
      %add3A_257 = arith.constant 12 : i32
      %add3A_258 = arith.addi %mul3A_176, %add3A_257 : i32
      %get3A_259 = arith.index_cast %add3A_258 : i32 to index
      %get3A_260 = arith.constant 0 : index
      %get3A_261 = tpu.vector_load %arg6[%get3A_259, %get3A_260] {strides = array<i32>} : memref<640x128xf32, #tpu.memory_space<vmem>>, vector<1x16xf32>,
      %get3A_262 = vector.shape_cast %get3A_261 : vector<1x16xf32> to vector<16xf32>
      %add3A_263 = arith.addf %add3A_256, %get3A_262 : vector<16xf32>
      %add3A_264 = arith.constant 13 : i32
      %add3A_265 = arith.addi %mul3A_176, %add3A_264 : i32
      %get3A_266 = arith.index_cast %add3A_265 : i32 to index
      %get3A_267 = arith.constant 0 : index
      %get3A_268 = tpu.vector_load %arg6[%get3A_266, %get3A_267] {strides = array<i32>} : memref<640x128xf32, #tpu.memory_space<vmem>>, vector<1x16xf32>,
      %get3A_269 = vector.shape_cast %get3A_268 : vector<1x16xf32> to vector<16xf32>
      %add3A_270 = arith.addf %add3A_263, %get3A_269 : vector<16xf32>
      %add3A_271 = arith.constant 14 : i32
      %add3A_272 = arith.addi %mul3A_176, %add3A_271 : i32
      %get3A_273 = arith.index_cast %add3A_272 : i32 to index
      %get3A_274 = arith.constant 0 : index
      %get3A_275 = tpu.vector_load %arg6[%get3A_273, %get3A_274] {strides = array<i32>} : memref<640x128xf32, #tpu.memory_space<vmem>>, vector<1x16xf32>,
      %get3A_276 = vector.shape_cast %get3A_275 : vector<1x16xf32> to vector<16xf32>
      %add3A_277 = arith.addf %add3A_270, %get3A_276 : vector<16xf32>
      %add3A_278 = arith.constant 15 : i32
      %add3A_279 = arith.addi %mul3A_176, %add3A_278 : i32
      %get3A_280 = arith.index_cast %add3A_279 : i32 to index
      %get3A_281 = arith.constant 0 : index
      %get3A_282 = tpu.vector_load %arg6[%get3A_280, %get3A_281] {strides = array<i32>} : memref<640x128xf32, #tpu.memory_space<vmem>>, vector<1x16xf32>,
      %get3A_283 = vector.shape_cast %get3A_282 : vector<1x16xf32> to vector<16xf32>
      %add3A_284 = arith.addf %add3A_277, %get3A_283 : vector<16xf32>
      %add3A_285 = arith.constant 16 : i32
      %add3A_286 = arith.addi %mul3A_176, %add3A_285 : i32
      %get3A_287 = arith.index_cast %add3A_286 : i32 to index
      %get3A_288 = arith.constant 0 : index
      %get3A_289 = tpu.vector_load %arg6[%get3A_287, %get3A_288] {strides = array<i32>} : memref<640x128xf32, #tpu.memory_space<vmem>>, vector<1x16xf32>,
      %get3A_290 = vector.shape_cast %get3A_289 : vector<1x16xf32> to vector<16xf32>
      %add3A_291 = arith.addf %add3A_284, %get3A_290 : vector<16xf32>
      %add3A_292 = arith.constant 17 : i32
      %add3A_293 = arith.addi %mul3A_176, %add3A_292 : i32
      %get3A_294 = arith.index_cast %add3A_293 : i32 to index
      %get3A_295 = arith.constant 0 : index
      %get3A_296 = tpu.vector_load %arg6[%get3A_294, %get3A_295] {strides = array<i32>} : memref<640x128xf32, #tpu.memory_space<vmem>>, vector<1x16xf32>,
      %get3A_297 = vector.shape_cast %get3A_296 : vector<1x16xf32> to vector<16xf32>
      %add3A_298 = arith.addf %add3A_291, %get3A_297 : vector<16xf32>
      %add3A_299 = arith.constant 18 : i32
      %add3A_300 = arith.addi %mul3A_176, %add3A_299 : i32
      %get3A_301 = arith.index_cast %add3A_300 : i32 to index
      %get3A_302 = arith.constant 0 : index
      %get3A_303 = tpu.vector_load %arg6[%get3A_301, %get3A_302] {strides = array<i32>} : memref<640x128xf32, #tpu.memory_space<vmem>>, vector<1x16xf32>,
      %get3A_304 = vector.shape_cast %get3A_303 : vector<1x16xf32> to vector<16xf32>
      %add3A_305 = arith.addf %add3A_298, %get3A_304 : vector<16xf32>
      %add3A_306 = arith.constant 19 : i32
      %add3A_307 = arith.addi %mul3A_176, %add3A_306 : i32
      %get3A_308 = arith.index_cast %add3A_307 : i32 to index
      %get3A_309 = arith.constant 0 : index
      %get3A_310 = tpu.vector_load %arg6[%get3A_308, %get3A_309] {strides = array<i32>} : memref<640x128xf32, #tpu.memory_space<vmem>>, vector<1x16xf32>,
      %get3A_311 = vector.shape_cast %get3A_310 : vector<1x16xf32> to vector<16xf32>
      %add3A_312 = arith.addf %add3A_305, %get3A_311 : vector<16xf32>
      %mul3A_313 = vector.broadcast %scan3A_119 : f32 to vector<16xf32>
      %mul3A_314 = arith.mulf %add3A_312, %mul3A_313 : vector<16xf32>
      %swap3A = arith.index_cast %scan3A_174 : i32 to index
      %swap3A_315 = arith.constant 0 : index
      %swap3A_316 = tpu.vector_load %arg7[%swap3A, %swap3A_315] {strides = array<i32>} : memref<32x64xf32, #tpu.memory_space<vmem>>, vector<1x16xf32>,
      %swap3A_317 = vector.shape_cast %swap3A_316 : vector<1x16xf32> to vector<16xf32>
      %swap3A_318 = vector.shape_cast %mul3A_314 : vector<16xf32> to vector<1x16xf32>
      tpu.vector_store %arg7[%swap3A, %swap3A_315], %swap3A_318 {strides = array<i32>} : memref<32x64xf32, #tpu.memory_space<vmem>>, vector<1x16xf32>,
      %get3A_319 = arith.index_cast %mul3A_176 : i32 to index
      %get3A_320 = arith.constant 16 : index
      %get3A_321 = tpu.vector_load %arg6[%get3A_319, %get3A_320] {strides = array<i32>} : memref<640x128xf32, #tpu.memory_space<vmem>>, vector<1x16xf32>,
      %get3A_322 = vector.shape_cast %get3A_321 : vector<1x16xf32> to vector<16xf32>
      %add3A_323 = arith.constant 1 : i32
      %add3A_324 = arith.addi %mul3A_176, %add3A_323 : i32
      %get3A_325 = arith.index_cast %add3A_324 : i32 to index
      %get3A_326 = arith.constant 16 : index
      %get3A_327 = tpu.vector_load %arg6[%get3A_325, %get3A_326] {strides = array<i32>} : memref<640x128xf32, #tpu.memory_space<vmem>>, vector<1x16xf32>,
      %get3A_328 = vector.shape_cast %get3A_327 : vector<1x16xf32> to vector<16xf32>
      %add3A_329 = arith.addf %get3A_322, %get3A_328 : vector<16xf32>
      %add3A_330 = arith.constant 2 : i32
      %add3A_331 = arith.addi %mul3A_176, %add3A_330 : i32
      %get3A_332 = arith.index_cast %add3A_331 : i32 to index
      %get3A_333 = arith.constant 16 : index
      %get3A_334 = tpu.vector_load %arg6[%get3A_332, %get3A_333] {strides = array<i32>} : memref<640x128xf32, #tpu.memory_space<vmem>>, vector<1x16xf32>,
      %get3A_335 = vector.shape_cast %get3A_334 : vector<1x16xf32> to vector<16xf32>
      %add3A_336 = arith.addf %add3A_329, %get3A_335 : vector<16xf32>
      %add3A_337 = arith.constant 3 : i32
      %add3A_338 = arith.addi %mul3A_176, %add3A_337 : i32
      %get3A_339 = arith.index_cast %add3A_338 : i32 to index
      %get3A_340 = arith.constant 16 : index
      %get3A_341 = tpu.vector_load %arg6[%get3A_339, %get3A_340] {strides = array<i32>} : memref<640x128xf32, #tpu.memory_space<vmem>>, vector<1x16xf32>,
      %get3A_342 = vector.shape_cast %get3A_341 : vector<1x16xf32> to vector<16xf32>
      %add3A_343 = arith.addf %add3A_336, %get3A_342 : vector<16xf32>
      %add3A_344 = arith.constant 4 : i32
      %add3A_345 = arith.addi %mul3A_176, %add3A_344 : i32
      %get3A_346 = arith.index_cast %add3A_345 : i32 to index
      %get3A_347 = arith.constant 16 : index
      %get3A_348 = tpu.vector_load %arg6[%get3A_346, %get3A_347] {strides = array<i32>} : memref<640x128xf32, #tpu.memory_space<vmem>>, vector<1x16xf32>,
      %get3A_349 = vector.shape_cast %get3A_348 : vector<1x16xf32> to vector<16xf32>
      %add3A_350 = arith.addf %add3A_343, %get3A_349 : vector<16xf32>
      %add3A_351 = arith.constant 5 : i32
      %add3A_352 = arith.addi %mul3A_176, %add3A_351 : i32
      %get3A_353 = arith.index_cast %add3A_352 : i32 to index
      %get3A_354 = arith.constant 16 : index
      %get3A_355 = tpu.vector_load %arg6[%get3A_353, %get3A_354] {strides = array<i32>} : memref<640x128xf32, #tpu.memory_space<vmem>>, vector<1x16xf32>,
      %get3A_356 = vector.shape_cast %get3A_355 : vector<1x16xf32> to vector<16xf32>
      %add3A_357 = arith.addf %add3A_350, %get3A_356 : vector<16xf32>
      %add3A_358 = arith.constant 6 : i32
      %add3A_359 = arith.addi %mul3A_176, %add3A_358 : i32
      %get3A_360 = arith.index_cast %add3A_359 : i32 to index
      %get3A_361 = arith.constant 16 : index
      %get3A_362 = tpu.vector_load %arg6[%get3A_360, %get3A_361] {strides = array<i32>} : memref<640x128xf32, #tpu.memory_space<vmem>>, vector<1x16xf32>,
      %get3A_363 = vector.shape_cast %get3A_362 : vector<1x16xf32> to vector<16xf32>
      %add3A_364 = arith.addf %add3A_357, %get3A_363 : vector<16xf32>
      %add3A_365 = arith.constant 7 : i32
      %add3A_366 = arith.addi %mul3A_176, %add3A_365 : i32
      %get3A_367 = arith.index_cast %add3A_366 : i32 to index
      %get3A_368 = arith.constant 16 : index
      %get3A_369 = tpu.vector_load %arg6[%get3A_367, %get3A_368] {strides = array<i32>} : memref<640x128xf32, #tpu.memory_space<vmem>>, vector<1x16xf32>,
      %get3A_370 = vector.shape_cast %get3A_369 : vector<1x16xf32> to vector<16xf32>
      %add3A_371 = arith.addf %add3A_364, %get3A_370 : vector<16xf32>
      %add3A_372 = arith.constant 8 : i32
      %add3A_373 = arith.addi %mul3A_176, %add3A_372 : i32
      %get3A_374 = arith.index_cast %add3A_373 : i32 to index
      %get3A_375 = arith.constant 16 : index
      %get3A_376 = tpu.vector_load %arg6[%get3A_374, %get3A_375] {strides = array<i32>} : memref<640x128xf32, #tpu.memory_space<vmem>>, vector<1x16xf32>,
      %get3A_377 = vector.shape_cast %get3A_376 : vector<1x16xf32> to vector<16xf32>
      %add3A_378 = arith.addf %add3A_371, %get3A_377 : vector<16xf32>
      %add3A_379 = arith.constant 9 : i32
      %add3A_380 = arith.addi %mul3A_176, %add3A_379 : i32
      %get3A_381 = arith.index_cast %add3A_380 : i32 to index
      %get3A_382 = arith.constant 16 : index
      %get3A_383 = tpu.vector_load %arg6[%get3A_381, %get3A_382] {strides = array<i32>} : memref<640x128xf32, #tpu.memory_space<vmem>>, vector<1x16xf32>,
      %get3A_384 = vector.shape_cast %get3A_383 : vector<1x16xf32> to vector<16xf32>
      %add3A_385 = arith.addf %add3A_378, %get3A_384 : vector<16xf32>
      %add3A_386 = arith.constant 10 : i32
      %add3A_387 = arith.addi %mul3A_176, %add3A_386 : i32
      %get3A_388 = arith.index_cast %add3A_387 : i32 to index
      %get3A_389 = arith.constant 16 : index
      %get3A_390 = tpu.vector_load %arg6[%get3A_388, %get3A_389] {strides = array<i32>} : memref<640x128xf32, #tpu.memory_space<vmem>>, vector<1x16xf32>,
      %get3A_391 = vector.shape_cast %get3A_390 : vector<1x16xf32> to vector<16xf32>
      %add3A_392 = arith.addf %add3A_385, %get3A_391 : vector<16xf32>
      %add3A_393 = arith.constant 11 : i32
      %add3A_394 = arith.addi %mul3A_176, %add3A_393 : i32
      %get3A_395 = arith.index_cast %add3A_394 : i32 to index
      %get3A_396 = arith.constant 16 : index
      %get3A_397 = tpu.vector_load %arg6[%get3A_395, %get3A_396] {strides = array<i32>} : memref<640x128xf32, #tpu.memory_space<vmem>>, vector<1x16xf32>,
      %get3A_398 = vector.shape_cast %get3A_397 : vector<1x16xf32> to vector<16xf32>
      %add3A_399 = arith.addf %add3A_392, %get3A_398 : vector<16xf32>
      %add3A_400 = arith.constant 12 : i32
      %add3A_401 = arith.addi %mul3A_176, %add3A_400 : i32
      %get3A_402 = arith.index_cast %add3A_401 : i32 to index
      %get3A_403 = arith.constant 16 : index
      %get3A_404 = tpu.vector_load %arg6[%get3A_402, %get3A_403] {strides = array<i32>} : memref<640x128xf32, #tpu.memory_space<vmem>>, vector<1x16xf32>,
      %get3A_405 = vector.shape_cast %get3A_404 : vector<1x16xf32> to vector<16xf32>
      %add3A_406 = arith.addf %add3A_399, %get3A_405 : vector<16xf32>
      %add3A_407 = arith.constant 13 : i32
      %add3A_408 = arith.addi %mul3A_176, %add3A_407 : i32
      %get3A_409 = arith.index_cast %add3A_408 : i32 to index
      %get3A_410 = arith.constant 16 : index
      %get3A_411 = tpu.vector_load %arg6[%get3A_409, %get3A_410] {strides = array<i32>} : memref<640x128xf32, #tpu.memory_space<vmem>>, vector<1x16xf32>,
      %get3A_412 = vector.shape_cast %get3A_411 : vector<1x16xf32> to vector<16xf32>
      %add3A_413 = arith.addf %add3A_406, %get3A_412 : vector<16xf32>
      %add3A_414 = arith.constant 14 : i32
      %add3A_415 = arith.addi %mul3A_176, %add3A_414 : i32
      %get3A_416 = arith.index_cast %add3A_415 : i32 to index
      %get3A_417 = arith.constant 16 : index
      %get3A_418 = tpu.vector_load %arg6[%get3A_416, %get3A_417] {strides = array<i32>} : memref<640x128xf32, #tpu.memory_space<vmem>>, vector<1x16xf32>,
      %get3A_419 = vector.shape_cast %get3A_418 : vector<1x16xf32> to vector<16xf32>
      %add3A_420 = arith.addf %add3A_413, %get3A_419 : vector<16xf32>
      %add3A_421 = arith.constant 15 : i32
      %add3A_422 = arith.addi %mul3A_176, %add3A_421 : i32
      %get3A_423 = arith.index_cast %add3A_422 : i32 to index
      %get3A_424 = arith.constant 16 : index
      %get3A_425 = tpu.vector_load %arg6[%get3A_423, %get3A_424] {strides = array<i32>} : memref<640x128xf32, #tpu.memory_space<vmem>>, vector<1x16xf32>,
      %get3A_426 = vector.shape_cast %get3A_425 : vector<1x16xf32> to vector<16xf32>
      %add3A_427 = arith.addf %add3A_420, %get3A_426 : vector<16xf32>
      %add3A_428 = arith.constant 16 : i32
      %add3A_429 = arith.addi %mul3A_176, %add3A_428 : i32
      %get3A_430 = arith.index_cast %add3A_429 : i32 to index
      %get3A_431 = arith.constant 16 : index
      %get3A_432 = tpu.vector_load %arg6[%get3A_430, %get3A_431] {strides = array<i32>} : memref<640x128xf32, #tpu.memory_space<vmem>>, vector<1x16xf32>,
      %get3A_433 = vector.shape_cast %get3A_432 : vector<1x16xf32> to vector<16xf32>
      %add3A_434 = arith.addf %add3A_427, %get3A_433 : vector<16xf32>
      %add3A_435 = arith.constant 17 : i32
      %add3A_436 = arith.addi %mul3A_176, %add3A_435 : i32
      %get3A_437 = arith.index_cast %add3A_436 : i32 to index
      %get3A_438 = arith.constant 16 : index
      %get3A_439 = tpu.vector_load %arg6[%get3A_437, %get3A_438] {strides = array<i32>} : memref<640x128xf32, #tpu.memory_space<vmem>>, vector<1x16xf32>,
      %get3A_440 = vector.shape_cast %get3A_439 : vector<1x16xf32> to vector<16xf32>
      %add3A_441 = arith.addf %add3A_434, %get3A_440 : vector<16xf32>
      %add3A_442 = arith.constant 18 : i32
      %add3A_443 = arith.addi %mul3A_176, %add3A_442 : i32
      %get3A_444 = arith.index_cast %add3A_443 : i32 to index
      %get3A_445 = arith.constant 16 : index
      %get3A_446 = tpu.vector_load %arg6[%get3A_444, %get3A_445] {strides = array<i32>} : memref<640x128xf32, #tpu.memory_space<vmem>>, vector<1x16xf32>,
      %get3A_447 = vector.shape_cast %get3A_446 : vector<1x16xf32> to vector<16xf32>
      %add3A_448 = arith.addf %add3A_441, %get3A_447 : vector<16xf32>
      %add3A_449 = arith.constant 19 : i32
      %add3A_450 = arith.addi %mul3A_176, %add3A_449 : i32
      %get3A_451 = arith.index_cast %add3A_450 : i32 to index
      %get3A_452 = arith.constant 16 : index
      %get3A_453 = tpu.vector_load %arg6[%get3A_451, %get3A_452] {strides = array<i32>} : memref<640x128xf32, #tpu.memory_space<vmem>>, vector<1x16xf32>,
      %get3A_454 = vector.shape_cast %get3A_453 : vector<1x16xf32> to vector<16xf32>
      %add3A_455 = arith.addf %add3A_448, %get3A_454 : vector<16xf32>
      %mul3A_456 = vector.broadcast %scan3A_119 : f32 to vector<16xf32>
      %mul3A_457 = arith.mulf %add3A_455, %mul3A_456 : vector<16xf32>
      %swap3A_458 = arith.index_cast %scan3A_174 : i32 to index
      %swap3A_459 = arith.constant 16 : index
      %swap3A_460 = tpu.vector_load %arg7[%swap3A_458, %swap3A_459] {strides = array<i32>} : memref<32x64xf32, #tpu.memory_space<vmem>>, vector<1x16xf32>,
      %swap3A_461 = vector.shape_cast %swap3A_460 : vector<1x16xf32> to vector<16xf32>
      %swap3A_462 = vector.shape_cast %mul3A_457 : vector<16xf32> to vector<1x16xf32>
      tpu.vector_store %arg7[%swap3A_458, %swap3A_459], %swap3A_462 {strides = array<i32>} : memref<32x64xf32, #tpu.memory_space<vmem>>, vector<1x16xf32>,
      %get3A_463 = arith.index_cast %mul3A_176 : i32 to index
      %get3A_464 = arith.constant 32 : index
      %get3A_465 = tpu.vector_load %arg6[%get3A_463, %get3A_464] {strides = array<i32>} : memref<640x128xf32, #tpu.memory_space<vmem>>, vector<1x16xf32>,
      %get3A_466 = vector.shape_cast %get3A_465 : vector<1x16xf32> to vector<16xf32>
      %add3A_467 = arith.constant 1 : i32
      %add3A_468 = arith.addi %mul3A_176, %add3A_467 : i32
      %get3A_469 = arith.index_cast %add3A_468 : i32 to index
      %get3A_470 = arith.constant 32 : index
      %get3A_471 = tpu.vector_load %arg6[%get3A_469, %get3A_470] {strides = array<i32>} : memref<640x128xf32, #tpu.memory_space<vmem>>, vector<1x16xf32>,
      %get3A_472 = vector.shape_cast %get3A_471 : vector<1x16xf32> to vector<16xf32>
      %add3A_473 = arith.addf %get3A_466, %get3A_472 : vector<16xf32>
      %add3A_474 = arith.constant 2 : i32
      %add3A_475 = arith.addi %mul3A_176, %add3A_474 : i32
      %get3A_476 = arith.index_cast %add3A_475 : i32 to index
      %get3A_477 = arith.constant 32 : index
      %get3A_478 = tpu.vector_load %arg6[%get3A_476, %get3A_477] {strides = array<i32>} : memref<640x128xf32, #tpu.memory_space<vmem>>, vector<1x16xf32>,
      %get3A_479 = vector.shape_cast %get3A_478 : vector<1x16xf32> to vector<16xf32>
      %add3A_480 = arith.addf %add3A_473, %get3A_479 : vector<16xf32>
      %add3A_481 = arith.constant 3 : i32
      %add3A_482 = arith.addi %mul3A_176, %add3A_481 : i32
      %get3A_483 = arith.index_cast %add3A_482 : i32 to index
      %get3A_484 = arith.constant 32 : index
      %get3A_485 = tpu.vector_load %arg6[%get3A_483, %get3A_484] {strides = array<i32>} : memref<640x128xf32, #tpu.memory_space<vmem>>, vector<1x16xf32>,
      %get3A_486 = vector.shape_cast %get3A_485 : vector<1x16xf32> to vector<16xf32>
      %add3A_487 = arith.addf %add3A_480, %get3A_486 : vector<16xf32>
      %add3A_488 = arith.constant 4 : i32
      %add3A_489 = arith.addi %mul3A_176, %add3A_488 : i32
      %get3A_490 = arith.index_cast %add3A_489 : i32 to index
      %get3A_491 = arith.constant 32 : index
      %get3A_492 = tpu.vector_load %arg6[%get3A_490, %get3A_491] {strides = array<i32>} : memref<640x128xf32, #tpu.memory_space<vmem>>, vector<1x16xf32>,
      %get3A_493 = vector.shape_cast %get3A_492 : vector<1x16xf32> to vector<16xf32>
      %add3A_494 = arith.addf %add3A_487, %get3A_493 : vector<16xf32>
      %add3A_495 = arith.constant 5 : i32
      %add3A_496 = arith.addi %mul3A_176, %add3A_495 : i32
      %get3A_497 = arith.index_cast %add3A_496 : i32 to index
      %get3A_498 = arith.constant 32 : index
      %get3A_499 = tpu.vector_load %arg6[%get3A_497, %get3A_498] {strides = array<i32>} : memref<640x128xf32, #tpu.memory_space<vmem>>, vector<1x16xf32>,
      %get3A_500 = vector.shape_cast %get3A_499 : vector<1x16xf32> to vector<16xf32>
      %add3A_501 = arith.addf %add3A_494, %get3A_500 : vector<16xf32>
      %add3A_502 = arith.constant 6 : i32
      %add3A_503 = arith.addi %mul3A_176, %add3A_502 : i32
      %get3A_504 = arith.index_cast %add3A_503 : i32 to index
      %get3A_505 = arith.constant 32 : index
      %get3A_506 = tpu.vector_load %arg6[%get3A_504, %get3A_505] {strides = array<i32>} : memref<640x128xf32, #tpu.memory_space<vmem>>, vector<1x16xf32>,
      %get3A_507 = vector.shape_cast %get3A_506 : vector<1x16xf32> to vector<16xf32>
      %add3A_508 = arith.addf %add3A_501, %get3A_507 : vector<16xf32>
      %add3A_509 = arith.constant 7 : i32
      %add3A_510 = arith.addi %mul3A_176, %add3A_509 : i32
      %get3A_511 = arith.index_cast %add3A_510 : i32 to index
      %get3A_512 = arith.constant 32 : index
      %get3A_513 = tpu.vector_load %arg6[%get3A_511, %get3A_512] {strides = array<i32>} : memref<640x128xf32, #tpu.memory_space<vmem>>, vector<1x16xf32>,
      %get3A_514 = vector.shape_cast %get3A_513 : vector<1x16xf32> to vector<16xf32>
      %add3A_515 = arith.addf %add3A_508, %get3A_514 : vector<16xf32>
      %add3A_516 = arith.constant 8 : i32
      %add3A_517 = arith.addi %mul3A_176, %add3A_516 : i32
      %get3A_518 = arith.index_cast %add3A_517 : i32 to index
      %get3A_519 = arith.constant 32 : index
      %get3A_520 = tpu.vector_load %arg6[%get3A_518, %get3A_519] {strides = array<i32>} : memref<640x128xf32, #tpu.memory_space<vmem>>, vector<1x16xf32>,
      %get3A_521 = vector.shape_cast %get3A_520 : vector<1x16xf32> to vector<16xf32>
      %add3A_522 = arith.addf %add3A_515, %get3A_521 : vector<16xf32>
      %add3A_523 = arith.constant 9 : i32
      %add3A_524 = arith.addi %mul3A_176, %add3A_523 : i32
      %get3A_525 = arith.index_cast %add3A_524 : i32 to index
      %get3A_526 = arith.constant 32 : index
      %get3A_527 = tpu.vector_load %arg6[%get3A_525, %get3A_526] {strides = array<i32>} : memref<640x128xf32, #tpu.memory_space<vmem>>, vector<1x16xf32>,
      %get3A_528 = vector.shape_cast %get3A_527 : vector<1x16xf32> to vector<16xf32>
      %add3A_529 = arith.addf %add3A_522, %get3A_528 : vector<16xf32>
      %add3A_530 = arith.constant 10 : i32
      %add3A_531 = arith.addi %mul3A_176, %add3A_530 : i32
      %get3A_532 = arith.index_cast %add3A_531 : i32 to index
      %get3A_533 = arith.constant 32 : index
      %get3A_534 = tpu.vector_load %arg6[%get3A_532, %get3A_533] {strides = array<i32>} : memref<640x128xf32, #tpu.memory_space<vmem>>, vector<1x16xf32>,
      %get3A_535 = vector.shape_cast %get3A_534 : vector<1x16xf32> to vector<16xf32>
      %add3A_536 = arith.addf %add3A_529, %get3A_535 : vector<16xf32>
      %add3A_537 = arith.constant 11 : i32
      %add3A_538 = arith.addi %mul3A_176, %add3A_537 : i32
      %get3A_539 = arith.index_cast %add3A_538 : i32 to index
      %get3A_540 = arith.constant 32 : index
      %get3A_541 = tpu.vector_load %arg6[%get3A_539, %get3A_540] {strides = array<i32>} : memref<640x128xf32, #tpu.memory_space<vmem>>, vector<1x16xf32>,
      %get3A_542 = vector.shape_cast %get3A_541 : vector<1x16xf32> to vector<16xf32>
      %add3A_543 = arith.addf %add3A_536, %get3A_542 : vector<16xf32>
      %add3A_544 = arith.constant 12 : i32
      %add3A_545 = arith.addi %mul3A_176, %add3A_544 : i32
      %get3A_546 = arith.index_cast %add3A_545 : i32 to index
      %get3A_547 = arith.constant 32 : index
      %get3A_548 = tpu.vector_load %arg6[%get3A_546, %get3A_547] {strides = array<i32>} : memref<640x128xf32, #tpu.memory_space<vmem>>, vector<1x16xf32>,
      %get3A_549 = vector.shape_cast %get3A_548 : vector<1x16xf32> to vector<16xf32>
      %add3A_550 = arith.addf %add3A_543, %get3A_549 : vector<16xf32>
      %add3A_551 = arith.constant 13 : i32
      %add3A_552 = arith.addi %mul3A_176, %add3A_551 : i32
      %get3A_553 = arith.index_cast %add3A_552 : i32 to index
      %get3A_554 = arith.constant 32 : index
      %get3A_555 = tpu.vector_load %arg6[%get3A_553, %get3A_554] {strides = array<i32>} : memref<640x128xf32, #tpu.memory_space<vmem>>, vector<1x16xf32>,
      %get3A_556 = vector.shape_cast %get3A_555 : vector<1x16xf32> to vector<16xf32>
      %add3A_557 = arith.addf %add3A_550, %get3A_556 : vector<16xf32>
      %add3A_558 = arith.constant 14 : i32
      %add3A_559 = arith.addi %mul3A_176, %add3A_558 : i32
      %get3A_560 = arith.index_cast %add3A_559 : i32 to index
      %get3A_561 = arith.constant 32 : index
      %get3A_562 = tpu.vector_load %arg6[%get3A_560, %get3A_561] {strides = array<i32>} : memref<640x128xf32, #tpu.memory_space<vmem>>, vector<1x16xf32>,
      %get3A_563 = vector.shape_cast %get3A_562 : vector<1x16xf32> to vector<16xf32>
      %add3A_564 = arith.addf %add3A_557, %get3A_563 : vector<16xf32>
      %add3A_565 = arith.constant 15 : i32
      %add3A_566 = arith.addi %mul3A_176, %add3A_565 : i32
      %get3A_567 = arith.index_cast %add3A_566 : i32 to index
      %get3A_568 = arith.constant 32 : index
      %get3A_569 = tpu.vector_load %arg6[%get3A_567, %get3A_568] {strides = array<i32>} : memref<640x128xf32, #tpu.memory_space<vmem>>, vector<1x16xf32>,
      %get3A_570 = vector.shape_cast %get3A_569 : vector<1x16xf32> to vector<16xf32>
      %add3A_571 = arith.addf %add3A_564, %get3A_570 : vector<16xf32>
      %add3A_572 = arith.constant 16 : i32
      %add3A_573 = arith.addi %mul3A_176, %add3A_572 : i32
      %get3A_574 = arith.index_cast %add3A_573 : i32 to index
      %get3A_575 = arith.constant 32 : index
      %get3A_576 = tpu.vector_load %arg6[%get3A_574, %get3A_575] {strides = array<i32>} : memref<640x128xf32, #tpu.memory_space<vmem>>, vector<1x16xf32>,
      %get3A_577 = vector.shape_cast %get3A_576 : vector<1x16xf32> to vector<16xf32>
      %add3A_578 = arith.addf %add3A_571, %get3A_577 : vector<16xf32>
      %add3A_579 = arith.constant 17 : i32
      %add3A_580 = arith.addi %mul3A_176, %add3A_579 : i32
      %get3A_581 = arith.index_cast %add3A_580 : i32 to index
      %get3A_582 = arith.constant 32 : index
      %get3A_583 = tpu.vector_load %arg6[%get3A_581, %get3A_582] {strides = array<i32>} : memref<640x128xf32, #tpu.memory_space<vmem>>, vector<1x16xf32>,
      %get3A_584 = vector.shape_cast %get3A_583 : vector<1x16xf32> to vector<16xf32>
      %add3A_585 = arith.addf %add3A_578, %get3A_584 : vector<16xf32>
      %add3A_586 = arith.constant 18 : i32
      %add3A_587 = arith.addi %mul3A_176, %add3A_586 : i32
      %get3A_588 = arith.index_cast %add3A_587 : i32 to index
      %get3A_589 = arith.constant 32 : index
      %get3A_590 = tpu.vector_load %arg6[%get3A_588, %get3A_589] {strides = array<i32>} : memref<640x128xf32, #tpu.memory_space<vmem>>, vector<1x16xf32>,
      %get3A_591 = vector.shape_cast %get3A_590 : vector<1x16xf32> to vector<16xf32>
      %add3A_592 = arith.addf %add3A_585, %get3A_591 : vector<16xf32>
      %add3A_593 = arith.constant 19 : i32
      %add3A_594 = arith.addi %mul3A_176, %add3A_593 : i32
      %get3A_595 = arith.index_cast %add3A_594 : i32 to index
      %get3A_596 = arith.constant 32 : index
      %get3A_597 = tpu.vector_load %arg6[%get3A_595, %get3A_596] {strides = array<i32>} : memref<640x128xf32, #tpu.memory_space<vmem>>, vector<1x16xf32>,
      %get3A_598 = vector.shape_cast %get3A_597 : vector<1x16xf32> to vector<16xf32>
      %add3A_599 = arith.addf %add3A_592, %get3A_598 : vector<16xf32>
      %mul3A_600 = vector.broadcast %scan3A_119 : f32 to vector<16xf32>
      %mul3A_601 = arith.mulf %add3A_599, %mul3A_600 : vector<16xf32>
      %swap3A_602 = arith.index_cast %scan3A_174 : i32 to index
      %swap3A_603 = arith.constant 32 : index
      %swap3A_604 = tpu.vector_load %arg7[%swap3A_602, %swap3A_603] {strides = array<i32>} : memref<32x64xf32, #tpu.memory_space<vmem>>, vector<1x16xf32>,
      %swap3A_605 = vector.shape_cast %swap3A_604 : vector<1x16xf32> to vector<16xf32>
      %swap3A_606 = vector.shape_cast %mul3A_601 : vector<16xf32> to vector<1x16xf32>
      tpu.vector_store %arg7[%swap3A_602, %swap3A_603], %swap3A_606 {strides = array<i32>} : memref<32x64xf32, #tpu.memory_space<vmem>>, vector<1x16xf32>,
      %get3A_607 = arith.index_cast %mul3A_176 : i32 to index
      %get3A_608 = arith.constant 48 : index
      %get3A_609 = tpu.vector_load %arg6[%get3A_607, %get3A_608] {strides = array<i32>} : memref<640x128xf32, #tpu.memory_space<vmem>>, vector<1x16xf32>,
      %get3A_610 = vector.shape_cast %get3A_609 : vector<1x16xf32> to vector<16xf32>
      %add3A_611 = arith.constant 1 : i32
      %add3A_612 = arith.addi %mul3A_176, %add3A_611 : i32
      %get3A_613 = arith.index_cast %add3A_612 : i32 to index
      %get3A_614 = arith.constant 48 : index
      %get3A_615 = tpu.vector_load %arg6[%get3A_613, %get3A_614] {strides = array<i32>} : memref<640x128xf32, #tpu.memory_space<vmem>>, vector<1x16xf32>,
      %get3A_616 = vector.shape_cast %get3A_615 : vector<1x16xf32> to vector<16xf32>
      %add3A_617 = arith.addf %get3A_610, %get3A_616 : vector<16xf32>
      %add3A_618 = arith.constant 2 : i32
      %add3A_619 = arith.addi %mul3A_176, %add3A_618 : i32
      %get3A_620 = arith.index_cast %add3A_619 : i32 to index
      %get3A_621 = arith.constant 48 : index
      %get3A_622 = tpu.vector_load %arg6[%get3A_620, %get3A_621] {strides = array<i32>} : memref<640x128xf32, #tpu.memory_space<vmem>>, vector<1x16xf32>,
      %get3A_623 = vector.shape_cast %get3A_622 : vector<1x16xf32> to vector<16xf32>
      %add3A_624 = arith.addf %add3A_617, %get3A_623 : vector<16xf32>
      %add3A_625 = arith.constant 3 : i32
      %add3A_626 = arith.addi %mul3A_176, %add3A_625 : i32
      %get3A_627 = arith.index_cast %add3A_626 : i32 to index
      %get3A_628 = arith.constant 48 : index
      %get3A_629 = tpu.vector_load %arg6[%get3A_627, %get3A_628] {strides = array<i32>} : memref<640x128xf32, #tpu.memory_space<vmem>>, vector<1x16xf32>,
      %get3A_630 = vector.shape_cast %get3A_629 : vector<1x16xf32> to vector<16xf32>
      %add3A_631 = arith.addf %add3A_624, %get3A_630 : vector<16xf32>
      %add3A_632 = arith.constant 4 : i32
      %add3A_633 = arith.addi %mul3A_176, %add3A_632 : i32
      %get3A_634 = arith.index_cast %add3A_633 : i32 to index
      %get3A_635 = arith.constant 48 : index
      %get3A_636 = tpu.vector_load %arg6[%get3A_634, %get3A_635] {strides = array<i32>} : memref<640x128xf32, #tpu.memory_space<vmem>>, vector<1x16xf32>,
      %get3A_637 = vector.shape_cast %get3A_636 : vector<1x16xf32> to vector<16xf32>
      %add3A_638 = arith.addf %add3A_631, %get3A_637 : vector<16xf32>
      %add3A_639 = arith.constant 5 : i32
      %add3A_640 = arith.addi %mul3A_176, %add3A_639 : i32
      %get3A_641 = arith.index_cast %add3A_640 : i32 to index
      %get3A_642 = arith.constant 48 : index
      %get3A_643 = tpu.vector_load %arg6[%get3A_641, %get3A_642] {strides = array<i32>} : memref<640x128xf32, #tpu.memory_space<vmem>>, vector<1x16xf32>,
      %get3A_644 = vector.shape_cast %get3A_643 : vector<1x16xf32> to vector<16xf32>
      %add3A_645 = arith.addf %add3A_638, %get3A_644 : vector<16xf32>
      %add3A_646 = arith.constant 6 : i32
      %add3A_647 = arith.addi %mul3A_176, %add3A_646 : i32
      %get3A_648 = arith.index_cast %add3A_647 : i32 to index
      %get3A_649 = arith.constant 48 : index
      %get3A_650 = tpu.vector_load %arg6[%get3A_648, %get3A_649] {strides = array<i32>} : memref<640x128xf32, #tpu.memory_space<vmem>>, vector<1x16xf32>,
      %get3A_651 = vector.shape_cast %get3A_650 : vector<1x16xf32> to vector<16xf32>
      %add3A_652 = arith.addf %add3A_645, %get3A_651 : vector<16xf32>
      %add3A_653 = arith.constant 7 : i32
      %add3A_654 = arith.addi %mul3A_176, %add3A_653 : i32
      %get3A_655 = arith.index_cast %add3A_654 : i32 to index
      %get3A_656 = arith.constant 48 : index
      %get3A_657 = tpu.vector_load %arg6[%get3A_655, %get3A_656] {strides = array<i32>} : memref<640x128xf32, #tpu.memory_space<vmem>>, vector<1x16xf32>,
      %get3A_658 = vector.shape_cast %get3A_657 : vector<1x16xf32> to vector<16xf32>
      %add3A_659 = arith.addf %add3A_652, %get3A_658 : vector<16xf32>
      %add3A_660 = arith.constant 8 : i32
      %add3A_661 = arith.addi %mul3A_176, %add3A_660 : i32
      %get3A_662 = arith.index_cast %add3A_661 : i32 to index
      %get3A_663 = arith.constant 48 : index
      %get3A_664 = tpu.vector_load %arg6[%get3A_662, %get3A_663] {strides = array<i32>} : memref<640x128xf32, #tpu.memory_space<vmem>>, vector<1x16xf32>,
      %get3A_665 = vector.shape_cast %get3A_664 : vector<1x16xf32> to vector<16xf32>
      %add3A_666 = arith.addf %add3A_659, %get3A_665 : vector<16xf32>
      %add3A_667 = arith.constant 9 : i32
      %add3A_668 = arith.addi %mul3A_176, %add3A_667 : i32
      %get3A_669 = arith.index_cast %add3A_668 : i32 to index
      %get3A_670 = arith.constant 48 : index
      %get3A_671 = tpu.vector_load %arg6[%get3A_669, %get3A_670] {strides = array<i32>} : memref<640x128xf32, #tpu.memory_space<vmem>>, vector<1x16xf32>,
      %get3A_672 = vector.shape_cast %get3A_671 : vector<1x16xf32> to vector<16xf32>
      %add3A_673 = arith.addf %add3A_666, %get3A_672 : vector<16xf32>
      %add3A_674 = arith.constant 10 : i32
      %add3A_675 = arith.addi %mul3A_176, %add3A_674 : i32
      %get3A_676 = arith.index_cast %add3A_675 : i32 to index
      %get3A_677 = arith.constant 48 : index
      %get3A_678 = tpu.vector_load %arg6[%get3A_676, %get3A_677] {strides = array<i32>} : memref<640x128xf32, #tpu.memory_space<vmem>>, vector<1x16xf32>,
      %get3A_679 = vector.shape_cast %get3A_678 : vector<1x16xf32> to vector<16xf32>
      %add3A_680 = arith.addf %add3A_673, %get3A_679 : vector<16xf32>
      %add3A_681 = arith.constant 11 : i32
      %add3A_682 = arith.addi %mul3A_176, %add3A_681 : i32
      %get3A_683 = arith.index_cast %add3A_682 : i32 to index
      %get3A_684 = arith.constant 48 : index
      %get3A_685 = tpu.vector_load %arg6[%get3A_683, %get3A_684] {strides = array<i32>} : memref<640x128xf32, #tpu.memory_space<vmem>>, vector<1x16xf32>,
      %get3A_686 = vector.shape_cast %get3A_685 : vector<1x16xf32> to vector<16xf32>
      %add3A_687 = arith.addf %add3A_680, %get3A_686 : vector<16xf32>
      %add3A_688 = arith.constant 12 : i32
      %add3A_689 = arith.addi %mul3A_176, %add3A_688 : i32
      %get3A_690 = arith.index_cast %add3A_689 : i32 to index
      %get3A_691 = arith.constant 48 : index
      %get3A_692 = tpu.vector_load %arg6[%get3A_690, %get3A_691] {strides = array<i32>} : memref<640x128xf32, #tpu.memory_space<vmem>>, vector<1x16xf32>,
      %get3A_693 = vector.shape_cast %get3A_692 : vector<1x16xf32> to vector<16xf32>
      %add3A_694 = arith.addf %add3A_687, %get3A_693 : vector<16xf32>
      %add3A_695 = arith.constant 13 : i32
      %add3A_696 = arith.addi %mul3A_176, %add3A_695 : i32
      %get3A_697 = arith.index_cast %add3A_696 : i32 to index
      %get3A_698 = arith.constant 48 : index
      %get3A_699 = tpu.vector_load %arg6[%get3A_697, %get3A_698] {strides = array<i32>} : memref<640x128xf32, #tpu.memory_space<vmem>>, vector<1x16xf32>,
      %get3A_700 = vector.shape_cast %get3A_699 : vector<1x16xf32> to vector<16xf32>
      %add3A_701 = arith.addf %add3A_694, %get3A_700 : vector<16xf32>
      %add3A_702 = arith.constant 14 : i32
      %add3A_703 = arith.addi %mul3A_176, %add3A_702 : i32
      %get3A_704 = arith.index_cast %add3A_703 : i32 to index
      %get3A_705 = arith.constant 48 : index
      %get3A_706 = tpu.vector_load %arg6[%get3A_704, %get3A_705] {strides = array<i32>} : memref<640x128xf32, #tpu.memory_space<vmem>>, vector<1x16xf32>,
      %get3A_707 = vector.shape_cast %get3A_706 : vector<1x16xf32> to vector<16xf32>
      %add3A_708 = arith.addf %add3A_701, %get3A_707 : vector<16xf32>
      %add3A_709 = arith.constant 15 : i32
      %add3A_710 = arith.addi %mul3A_176, %add3A_709 : i32
      %get3A_711 = arith.index_cast %add3A_710 : i32 to index
      %get3A_712 = arith.constant 48 : index
      %get3A_713 = tpu.vector_load %arg6[%get3A_711, %get3A_712] {strides = array<i32>} : memref<640x128xf32, #tpu.memory_space<vmem>>, vector<1x16xf32>,
      %get3A_714 = vector.shape_cast %get3A_713 : vector<1x16xf32> to vector<16xf32>
      %add3A_715 = arith.addf %add3A_708, %get3A_714 : vector<16xf32>
      %add3A_716 = arith.constant 16 : i32
      %add3A_717 = arith.addi %mul3A_176, %add3A_716 : i32
      %get3A_718 = arith.index_cast %add3A_717 : i32 to index
      %get3A_719 = arith.constant 48 : index
      %get3A_720 = tpu.vector_load %arg6[%get3A_718, %get3A_719] {strides = array<i32>} : memref<640x128xf32, #tpu.memory_space<vmem>>, vector<1x16xf32>,
      %get3A_721 = vector.shape_cast %get3A_720 : vector<1x16xf32> to vector<16xf32>
      %add3A_722 = arith.addf %add3A_715, %get3A_721 : vector<16xf32>
      %add3A_723 = arith.constant 17 : i32
      %add3A_724 = arith.addi %mul3A_176, %add3A_723 : i32
      %get3A_725 = arith.index_cast %add3A_724 : i32 to index
      %get3A_726 = arith.constant 48 : index
      %get3A_727 = tpu.vector_load %arg6[%get3A_725, %get3A_726] {strides = array<i32>} : memref<640x128xf32, #tpu.memory_space<vmem>>, vector<1x16xf32>,
      %get3A_728 = vector.shape_cast %get3A_727 : vector<1x16xf32> to vector<16xf32>
      %add3A_729 = arith.addf %add3A_722, %get3A_728 : vector<16xf32>
      %add3A_730 = arith.constant 18 : i32
      %add3A_731 = arith.addi %mul3A_176, %add3A_730 : i32
      %get3A_732 = arith.index_cast %add3A_731 : i32 to index
      %get3A_733 = arith.constant 48 : index
      %get3A_734 = tpu.vector_load %arg6[%get3A_732, %get3A_733] {strides = array<i32>} : memref<640x128xf32, #tpu.memory_space<vmem>>, vector<1x16xf32>,
      %get3A_735 = vector.shape_cast %get3A_734 : vector<1x16xf32> to vector<16xf32>
      %add3A_736 = arith.addf %add3A_729, %get3A_735 : vector<16xf32>
      %add3A_737 = arith.constant 19 : i32
      %add3A_738 = arith.addi %mul3A_176, %add3A_737 : i32
      %get3A_739 = arith.index_cast %add3A_738 : i32 to index
      %get3A_740 = arith.constant 48 : index
      %get3A_741 = tpu.vector_load %arg6[%get3A_739, %get3A_740] {strides = array<i32>} : memref<640x128xf32, #tpu.memory_space<vmem>>, vector<1x16xf32>,
      %get3A_742 = vector.shape_cast %get3A_741 : vector<1x16xf32> to vector<16xf32>
      %add3A_743 = arith.addf %add3A_736, %get3A_742 : vector<16xf32>
      %mul3A_744 = vector.broadcast %scan3A_119 : f32 to vector<16xf32>
      %mul3A_745 = arith.mulf %add3A_743, %mul3A_744 : vector<16xf32>
      %swap3A_746 = arith.index_cast %scan3A_174 : i32 to index
      %swap3A_747 = arith.constant 48 : index
      %swap3A_748 = tpu.vector_load %arg7[%swap3A_746, %swap3A_747] {strides = array<i32>} : memref<32x64xf32, #tpu.memory_space<vmem>>, vector<1x16xf32>,
      %swap3A_749 = vector.shape_cast %swap3A_748 : vector<1x16xf32> to vector<16xf32>
      %swap3A_750 = vector.shape_cast %mul3A_745 : vector<16xf32> to vector<1x16xf32>
      tpu.vector_store %arg7[%swap3A_746, %swap3A_747], %swap3A_750 {strides = array<i32>} : memref<32x64xf32, #tpu.memory_space<vmem>>, vector<1x16xf32>,
    }
    %scan3A_124 = arith.constant 16 : i32
    %dma_wait3A_125 = arith.constant 4 : i32
    %dma_wait3A_126 = arith.constant 320 : i32
    %dma_wait3A_127 = arith.constant 0 : i32
    %dma_wait3A_128 = tpu.memref_slice %arg6[%dma_wait3A_126, %dma_wait3A_127] : memref<640x128xf32, #tpu.memory_space<vmem>> -> memref<80x128xf32, #tpu.memory_space<vmem>>
    %dma_wait3A_129 = arith.constant 0 : i32
    %dma_wait3A_130 = tpu.memref_slice %arg5[%dma_wait3A_125, %dma_wait3A_129] : memref<8x80xi32, #tpu.memory_space<vmem>> -> memref<1x80xi32, #tpu.memory_space<vmem>>
    %dma_wait3A_131 = tpu.memref_squeeze %dma_wait3A_130 : memref<1x80xi32, #tpu.memory_space<vmem>> -> memref<80xi32, #tpu.memory_space<vmem>>
    %dma_wait3A_132 = arith.constant 0 : i32
    %dma_wait3A_133 = arith.constant 0 : i32
    %dma_wait3A_134 = tpu.memref_slice %arg3[%dma_wait3A_132, %dma_wait3A_133] : memref<100000x128xf32, #tpu.memory_space<hbm>> -> memref<100000x128xf32, #tpu.memory_space<hbm>>
    tpu.wait_indirect_dma semaphore(%arg9 : memref<!tpu.dma_semaphore, #tpu.memory_space<semaphore_mem>>) src(%dma_wait3A_134 : memref<100000x128xf32, #tpu.memory_space<hbm>>) dst(%dma_wait3A_128 : memref<80x128xf32, #tpu.memory_space<vmem>>)
    %dma_wait3A_135 = arith.constant 5 : i32
    %dma_wait3A_136 = arith.constant 400 : i32
    %dma_wait3A_137 = arith.constant 0 : i32
    %dma_wait3A_138 = tpu.memref_slice %arg6[%dma_wait3A_136, %dma_wait3A_137] : memref<640x128xf32, #tpu.memory_space<vmem>> -> memref<80x128xf32, #tpu.memory_space<vmem>>
    %dma_wait3A_139 = arith.constant 0 : i32
    %dma_wait3A_140 = tpu.memref_slice %arg5[%dma_wait3A_135, %dma_wait3A_139] : memref<8x80xi32, #tpu.memory_space<vmem>> -> memref<1x80xi32, #tpu.memory_space<vmem>>
    %dma_wait3A_141 = tpu.memref_squeeze %dma_wait3A_140 : memref<1x80xi32, #tpu.memory_space<vmem>> -> memref<80xi32, #tpu.memory_space<vmem>>
    %dma_wait3A_142 = arith.constant 0 : i32
    %dma_wait3A_143 = arith.constant 0 : i32
    %dma_wait3A_144 = tpu.memref_slice %arg3[%dma_wait3A_142, %dma_wait3A_143] : memref<100000x128xf32, #tpu.memory_space<hbm>> -> memref<100000x128xf32, #tpu.memory_space<hbm>>
    tpu.wait_indirect_dma semaphore(%arg9 : memref<!tpu.dma_semaphore, #tpu.memory_space<semaphore_mem>>) src(%dma_wait3A_144 : memref<100000x128xf32, #tpu.memory_space<hbm>>) dst(%dma_wait3A_138 : memref<80x128xf32, #tpu.memory_space<vmem>>)
    %dma_wait3A_145 = arith.constant 6 : i32
    %dma_wait3A_146 = arith.constant 480 : i32
    %dma_wait3A_147 = arith.constant 0 : i32
    %dma_wait3A_148 = tpu.memref_slice %arg6[%dma_wait3A_146, %dma_wait3A_147] : memref<640x128xf32, #tpu.memory_space<vmem>> -> memref<80x128xf32, #tpu.memory_space<vmem>>
    %dma_wait3A_149 = arith.constant 0 : i32
    %dma_wait3A_150 = tpu.memref_slice %arg5[%dma_wait3A_145, %dma_wait3A_149] : memref<8x80xi32, #tpu.memory_space<vmem>> -> memref<1x80xi32, #tpu.memory_space<vmem>>
    %dma_wait3A_151 = tpu.memref_squeeze %dma_wait3A_150 : memref<1x80xi32, #tpu.memory_space<vmem>> -> memref<80xi32, #tpu.memory_space<vmem>>
    %dma_wait3A_152 = arith.constant 0 : i32
    %dma_wait3A_153 = arith.constant 0 : i32
    %dma_wait3A_154 = tpu.memref_slice %arg3[%dma_wait3A_152, %dma_wait3A_153] : memref<100000x128xf32, #tpu.memory_space<hbm>> -> memref<100000x128xf32, #tpu.memory_space<hbm>>
    tpu.wait_indirect_dma semaphore(%arg9 : memref<!tpu.dma_semaphore, #tpu.memory_space<semaphore_mem>>) src(%dma_wait3A_154 : memref<100000x128xf32, #tpu.memory_space<hbm>>) dst(%dma_wait3A_148 : memref<80x128xf32, #tpu.memory_space<vmem>>)
    %dma_wait3A_155 = arith.constant 7 : i32
    %dma_wait3A_156 = arith.constant 560 : i32
    %dma_wait3A_157 = arith.constant 0 : i32
    %dma_wait3A_158 = tpu.memref_slice %arg6[%dma_wait3A_156, %dma_wait3A_157] : memref<640x128xf32, #tpu.memory_space<vmem>> -> memref<80x128xf32, #tpu.memory_space<vmem>>
    %dma_wait3A_159 = arith.constant 0 : i32
    %dma_wait3A_160 = tpu.memref_slice %arg5[%dma_wait3A_155, %dma_wait3A_159] : memref<8x80xi32, #tpu.memory_space<vmem>> -> memref<1x80xi32, #tpu.memory_space<vmem>>
    %dma_wait3A_161 = tpu.memref_squeeze %dma_wait3A_160 : memref<1x80xi32, #tpu.memory_space<vmem>> -> memref<80xi32, #tpu.memory_space<vmem>>
    %dma_wait3A_162 = arith.constant 0 : i32
    %dma_wait3A_163 = arith.constant 0 : i32
    %dma_wait3A_164 = tpu.memref_slice %arg3[%dma_wait3A_162, %dma_wait3A_163] : memref<100000x128xf32, #tpu.memory_space<hbm>> -> memref<100000x128xf32, #tpu.memory_space<hbm>>
    tpu.wait_indirect_dma semaphore(%arg9 : memref<!tpu.dma_semaphore, #tpu.memory_space<semaphore_mem>>) src(%dma_wait3A_164 : memref<100000x128xf32, #tpu.memory_space<hbm>>) dst(%dma_wait3A_158 : memref<80x128xf32, #tpu.memory_space<vmem>>)
    %scan3A_165 = arith.constant 0 : i32
    %scan3A_166 = arith.constant 5.000000e-02 : f32
    %scan3A_167 = arith.constant 16 : i32
    %scan3A_168 = arith.constant 16 : i32
    %scan3A_169 = arith.addi %scan3A_167, %scan3A_168 : i32
    %scan3A_170 = arith.constant 1 : i32
    scf.for %scan3A_174 = %scan3A_167 to %scan3A_169 step %scan3A_170  : i32 {
      %mul3A_175 = arith.constant 20 : i32
      %mul3A_176 = arith.muli %scan3A_174, %mul3A_175 : i32
      %get3A = arith.index_cast %mul3A_176 : i32 to index
      %get3A_177 = arith.constant 0 : index
      %get3A_178 = tpu.vector_load %arg6[%get3A, %get3A_177] {strides = array<i32>} : memref<640x128xf32, #tpu.memory_space<vmem>>, vector<1x16xf32>,
      %get3A_179 = vector.shape_cast %get3A_178 : vector<1x16xf32> to vector<16xf32>
      %add3A_180 = arith.constant 1 : i32
      %add3A_181 = arith.addi %mul3A_176, %add3A_180 : i32
      %get3A_182 = arith.index_cast %add3A_181 : i32 to index
      %get3A_183 = arith.constant 0 : index
      %get3A_184 = tpu.vector_load %arg6[%get3A_182, %get3A_183] {strides = array<i32>} : memref<640x128xf32, #tpu.memory_space<vmem>>, vector<1x16xf32>,
      %get3A_185 = vector.shape_cast %get3A_184 : vector<1x16xf32> to vector<16xf32>
      %add3A_186 = arith.addf %get3A_179, %get3A_185 : vector<16xf32>
      %add3A_187 = arith.constant 2 : i32
      %add3A_188 = arith.addi %mul3A_176, %add3A_187 : i32
      %get3A_189 = arith.index_cast %add3A_188 : i32 to index
      %get3A_190 = arith.constant 0 : index
      %get3A_191 = tpu.vector_load %arg6[%get3A_189, %get3A_190] {strides = array<i32>} : memref<640x128xf32, #tpu.memory_space<vmem>>, vector<1x16xf32>,
      %get3A_192 = vector.shape_cast %get3A_191 : vector<1x16xf32> to vector<16xf32>
      %add3A_193 = arith.addf %add3A_186, %get3A_192 : vector<16xf32>
      %add3A_194 = arith.constant 3 : i32
      %add3A_195 = arith.addi %mul3A_176, %add3A_194 : i32
      %get3A_196 = arith.index_cast %add3A_195 : i32 to index
      %get3A_197 = arith.constant 0 : index
      %get3A_198 = tpu.vector_load %arg6[%get3A_196, %get3A_197] {strides = array<i32>} : memref<640x128xf32, #tpu.memory_space<vmem>>, vector<1x16xf32>,
      %get3A_199 = vector.shape_cast %get3A_198 : vector<1x16xf32> to vector<16xf32>
      %add3A_200 = arith.addf %add3A_193, %get3A_199 : vector<16xf32>
      %add3A_201 = arith.constant 4 : i32
      %add3A_202 = arith.addi %mul3A_176, %add3A_201 : i32
      %get3A_203 = arith.index_cast %add3A_202 : i32 to index
      %get3A_204 = arith.constant 0 : index
      %get3A_205 = tpu.vector_load %arg6[%get3A_203, %get3A_204] {strides = array<i32>} : memref<640x128xf32, #tpu.memory_space<vmem>>, vector<1x16xf32>,
      %get3A_206 = vector.shape_cast %get3A_205 : vector<1x16xf32> to vector<16xf32>
      %add3A_207 = arith.addf %add3A_200, %get3A_206 : vector<16xf32>
      %add3A_208 = arith.constant 5 : i32
      %add3A_209 = arith.addi %mul3A_176, %add3A_208 : i32
      %get3A_210 = arith.index_cast %add3A_209 : i32 to index
      %get3A_211 = arith.constant 0 : index
      %get3A_212 = tpu.vector_load %arg6[%get3A_210, %get3A_211] {strides = array<i32>} : memref<640x128xf32, #tpu.memory_space<vmem>>, vector<1x16xf32>,
      %get3A_213 = vector.shape_cast %get3A_212 : vector<1x16xf32> to vector<16xf32>
      %add3A_214 = arith.addf %add3A_207, %get3A_213 : vector<16xf32>
      %add3A_215 = arith.constant 6 : i32
      %add3A_216 = arith.addi %mul3A_176, %add3A_215 : i32
      %get3A_217 = arith.index_cast %add3A_216 : i32 to index
      %get3A_218 = arith.constant 0 : index
      %get3A_219 = tpu.vector_load %arg6[%get3A_217, %get3A_218] {strides = array<i32>} : memref<640x128xf32, #tpu.memory_space<vmem>>, vector<1x16xf32>,
      %get3A_220 = vector.shape_cast %get3A_219 : vector<1x16xf32> to vector<16xf32>
      %add3A_221 = arith.addf %add3A_214, %get3A_220 : vector<16xf32>
      %add3A_222 = arith.constant 7 : i32
      %add3A_223 = arith.addi %mul3A_176, %add3A_222 : i32
      %get3A_224 = arith.index_cast %add3A_223 : i32 to index
      %get3A_225 = arith.constant 0 : index
      %get3A_226 = tpu.vector_load %arg6[%get3A_224, %get3A_225] {strides = array<i32>} : memref<640x128xf32, #tpu.memory_space<vmem>>, vector<1x16xf32>,
      %get3A_227 = vector.shape_cast %get3A_226 : vector<1x16xf32> to vector<16xf32>
      %add3A_228 = arith.addf %add3A_221, %get3A_227 : vector<16xf32>
      %add3A_229 = arith.constant 8 : i32
      %add3A_230 = arith.addi %mul3A_176, %add3A_229 : i32
      %get3A_231 = arith.index_cast %add3A_230 : i32 to index
      %get3A_232 = arith.constant 0 : index
      %get3A_233 = tpu.vector_load %arg6[%get3A_231, %get3A_232] {strides = array<i32>} : memref<640x128xf32, #tpu.memory_space<vmem>>, vector<1x16xf32>,
      %get3A_234 = vector.shape_cast %get3A_233 : vector<1x16xf32> to vector<16xf32>
      %add3A_235 = arith.addf %add3A_228, %get3A_234 : vector<16xf32>
      %add3A_236 = arith.constant 9 : i32
      %add3A_237 = arith.addi %mul3A_176, %add3A_236 : i32
      %get3A_238 = arith.index_cast %add3A_237 : i32 to index
      %get3A_239 = arith.constant 0 : index
      %get3A_240 = tpu.vector_load %arg6[%get3A_238, %get3A_239] {strides = array<i32>} : memref<640x128xf32, #tpu.memory_space<vmem>>, vector<1x16xf32>,
      %get3A_241 = vector.shape_cast %get3A_240 : vector<1x16xf32> to vector<16xf32>
      %add3A_242 = arith.addf %add3A_235, %get3A_241 : vector<16xf32>
      %add3A_243 = arith.constant 10 : i32
      %add3A_244 = arith.addi %mul3A_176, %add3A_243 : i32
      %get3A_245 = arith.index_cast %add3A_244 : i32 to index
      %get3A_246 = arith.constant 0 : index
      %get3A_247 = tpu.vector_load %arg6[%get3A_245, %get3A_246] {strides = array<i32>} : memref<640x128xf32, #tpu.memory_space<vmem>>, vector<1x16xf32>,
      %get3A_248 = vector.shape_cast %get3A_247 : vector<1x16xf32> to vector<16xf32>
      %add3A_249 = arith.addf %add3A_242, %get3A_248 : vector<16xf32>
      %add3A_250 = arith.constant 11 : i32
      %add3A_251 = arith.addi %mul3A_176, %add3A_250 : i32
      %get3A_252 = arith.index_cast %add3A_251 : i32 to index
      %get3A_253 = arith.constant 0 : index
      %get3A_254 = tpu.vector_load %arg6[%get3A_252, %get3A_253] {strides = array<i32>} : memref<640x128xf32, #tpu.memory_space<vmem>>, vector<1x16xf32>,
      %get3A_255 = vector.shape_cast %get3A_254 : vector<1x16xf32> to vector<16xf32>
      %add3A_256 = arith.addf %add3A_249, %get3A_255 : vector<16xf32>
      %add3A_257 = arith.constant 12 : i32
      %add3A_258 = arith.addi %mul3A_176, %add3A_257 : i32
      %get3A_259 = arith.index_cast %add3A_258 : i32 to index
      %get3A_260 = arith.constant 0 : index
      %get3A_261 = tpu.vector_load %arg6[%get3A_259, %get3A_260] {strides = array<i32>} : memref<640x128xf32, #tpu.memory_space<vmem>>, vector<1x16xf32>,
      %get3A_262 = vector.shape_cast %get3A_261 : vector<1x16xf32> to vector<16xf32>
      %add3A_263 = arith.addf %add3A_256, %get3A_262 : vector<16xf32>
      %add3A_264 = arith.constant 13 : i32
      %add3A_265 = arith.addi %mul3A_176, %add3A_264 : i32
      %get3A_266 = arith.index_cast %add3A_265 : i32 to index
      %get3A_267 = arith.constant 0 : index
      %get3A_268 = tpu.vector_load %arg6[%get3A_266, %get3A_267] {strides = array<i32>} : memref<640x128xf32, #tpu.memory_space<vmem>>, vector<1x16xf32>,
      %get3A_269 = vector.shape_cast %get3A_268 : vector<1x16xf32> to vector<16xf32>
      %add3A_270 = arith.addf %add3A_263, %get3A_269 : vector<16xf32>
      %add3A_271 = arith.constant 14 : i32
      %add3A_272 = arith.addi %mul3A_176, %add3A_271 : i32
      %get3A_273 = arith.index_cast %add3A_272 : i32 to index
      %get3A_274 = arith.constant 0 : index
      %get3A_275 = tpu.vector_load %arg6[%get3A_273, %get3A_274] {strides = array<i32>} : memref<640x128xf32, #tpu.memory_space<vmem>>, vector<1x16xf32>,
      %get3A_276 = vector.shape_cast %get3A_275 : vector<1x16xf32> to vector<16xf32>
      %add3A_277 = arith.addf %add3A_270, %get3A_276 : vector<16xf32>
      %add3A_278 = arith.constant 15 : i32
      %add3A_279 = arith.addi %mul3A_176, %add3A_278 : i32
      %get3A_280 = arith.index_cast %add3A_279 : i32 to index
      %get3A_281 = arith.constant 0 : index
      %get3A_282 = tpu.vector_load %arg6[%get3A_280, %get3A_281] {strides = array<i32>} : memref<640x128xf32, #tpu.memory_space<vmem>>, vector<1x16xf32>,
      %get3A_283 = vector.shape_cast %get3A_282 : vector<1x16xf32> to vector<16xf32>
      %add3A_284 = arith.addf %add3A_277, %get3A_283 : vector<16xf32>
      %add3A_285 = arith.constant 16 : i32
      %add3A_286 = arith.addi %mul3A_176, %add3A_285 : i32
      %get3A_287 = arith.index_cast %add3A_286 : i32 to index
      %get3A_288 = arith.constant 0 : index
      %get3A_289 = tpu.vector_load %arg6[%get3A_287, %get3A_288] {strides = array<i32>} : memref<640x128xf32, #tpu.memory_space<vmem>>, vector<1x16xf32>,
      %get3A_290 = vector.shape_cast %get3A_289 : vector<1x16xf32> to vector<16xf32>
      %add3A_291 = arith.addf %add3A_284, %get3A_290 : vector<16xf32>
      %add3A_292 = arith.constant 17 : i32
      %add3A_293 = arith.addi %mul3A_176, %add3A_292 : i32
      %get3A_294 = arith.index_cast %add3A_293 : i32 to index
      %get3A_295 = arith.constant 0 : index
      %get3A_296 = tpu.vector_load %arg6[%get3A_294, %get3A_295] {strides = array<i32>} : memref<640x128xf32, #tpu.memory_space<vmem>>, vector<1x16xf32>,
      %get3A_297 = vector.shape_cast %get3A_296 : vector<1x16xf32> to vector<16xf32>
      %add3A_298 = arith.addf %add3A_291, %get3A_297 : vector<16xf32>
      %add3A_299 = arith.constant 18 : i32
      %add3A_300 = arith.addi %mul3A_176, %add3A_299 : i32
      %get3A_301 = arith.index_cast %add3A_300 : i32 to index
      %get3A_302 = arith.constant 0 : index
      %get3A_303 = tpu.vector_load %arg6[%get3A_301, %get3A_302] {strides = array<i32>} : memref<640x128xf32, #tpu.memory_space<vmem>>, vector<1x16xf32>,
      %get3A_304 = vector.shape_cast %get3A_303 : vector<1x16xf32> to vector<16xf32>
      %add3A_305 = arith.addf %add3A_298, %get3A_304 : vector<16xf32>
      %add3A_306 = arith.constant 19 : i32
      %add3A_307 = arith.addi %mul3A_176, %add3A_306 : i32
      %get3A_308 = arith.index_cast %add3A_307 : i32 to index
      %get3A_309 = arith.constant 0 : index
      %get3A_310 = tpu.vector_load %arg6[%get3A_308, %get3A_309] {strides = array<i32>} : memref<640x128xf32, #tpu.memory_space<vmem>>, vector<1x16xf32>,
      %get3A_311 = vector.shape_cast %get3A_310 : vector<1x16xf32> to vector<16xf32>
      %add3A_312 = arith.addf %add3A_305, %get3A_311 : vector<16xf32>
      %mul3A_313 = vector.broadcast %scan3A_166 : f32 to vector<16xf32>
      %mul3A_314 = arith.mulf %add3A_312, %mul3A_313 : vector<16xf32>
      %swap3A = arith.index_cast %scan3A_174 : i32 to index
      %swap3A_315 = arith.constant 0 : index
      %swap3A_316 = tpu.vector_load %arg7[%swap3A, %swap3A_315] {strides = array<i32>} : memref<32x64xf32, #tpu.memory_space<vmem>>, vector<1x16xf32>,
      %swap3A_317 = vector.shape_cast %swap3A_316 : vector<1x16xf32> to vector<16xf32>
      %swap3A_318 = vector.shape_cast %mul3A_314 : vector<16xf32> to vector<1x16xf32>
      tpu.vector_store %arg7[%swap3A, %swap3A_315], %swap3A_318 {strides = array<i32>} : memref<32x64xf32, #tpu.memory_space<vmem>>, vector<1x16xf32>,
      %get3A_319 = arith.index_cast %mul3A_176 : i32 to index
      %get3A_320 = arith.constant 16 : index
      %get3A_321 = tpu.vector_load %arg6[%get3A_319, %get3A_320] {strides = array<i32>} : memref<640x128xf32, #tpu.memory_space<vmem>>, vector<1x16xf32>,
      %get3A_322 = vector.shape_cast %get3A_321 : vector<1x16xf32> to vector<16xf32>
      %add3A_323 = arith.constant 1 : i32
      %add3A_324 = arith.addi %mul3A_176, %add3A_323 : i32
      %get3A_325 = arith.index_cast %add3A_324 : i32 to index
      %get3A_326 = arith.constant 16 : index
      %get3A_327 = tpu.vector_load %arg6[%get3A_325, %get3A_326] {strides = array<i32>} : memref<640x128xf32, #tpu.memory_space<vmem>>, vector<1x16xf32>,
      %get3A_328 = vector.shape_cast %get3A_327 : vector<1x16xf32> to vector<16xf32>
      %add3A_329 = arith.addf %get3A_322, %get3A_328 : vector<16xf32>
      %add3A_330 = arith.constant 2 : i32
      %add3A_331 = arith.addi %mul3A_176, %add3A_330 : i32
      %get3A_332 = arith.index_cast %add3A_331 : i32 to index
      %get3A_333 = arith.constant 16 : index
      %get3A_334 = tpu.vector_load %arg6[%get3A_332, %get3A_333] {strides = array<i32>} : memref<640x128xf32, #tpu.memory_space<vmem>>, vector<1x16xf32>,
      %get3A_335 = vector.shape_cast %get3A_334 : vector<1x16xf32> to vector<16xf32>
      %add3A_336 = arith.addf %add3A_329, %get3A_335 : vector<16xf32>
      %add3A_337 = arith.constant 3 : i32
      %add3A_338 = arith.addi %mul3A_176, %add3A_337 : i32
      %get3A_339 = arith.index_cast %add3A_338 : i32 to index
      %get3A_340 = arith.constant 16 : index
      %get3A_341 = tpu.vector_load %arg6[%get3A_339, %get3A_340] {strides = array<i32>} : memref<640x128xf32, #tpu.memory_space<vmem>>, vector<1x16xf32>,
      %get3A_342 = vector.shape_cast %get3A_341 : vector<1x16xf32> to vector<16xf32>
      %add3A_343 = arith.addf %add3A_336, %get3A_342 : vector<16xf32>
      %add3A_344 = arith.constant 4 : i32
      %add3A_345 = arith.addi %mul3A_176, %add3A_344 : i32
      %get3A_346 = arith.index_cast %add3A_345 : i32 to index
      %get3A_347 = arith.constant 16 : index
      %get3A_348 = tpu.vector_load %arg6[%get3A_346, %get3A_347] {strides = array<i32>} : memref<640x128xf32, #tpu.memory_space<vmem>>, vector<1x16xf32>,
      %get3A_349 = vector.shape_cast %get3A_348 : vector<1x16xf32> to vector<16xf32>
      %add3A_350 = arith.addf %add3A_343, %get3A_349 : vector<16xf32>
      %add3A_351 = arith.constant 5 : i32
      %add3A_352 = arith.addi %mul3A_176, %add3A_351 : i32
      %get3A_353 = arith.index_cast %add3A_352 : i32 to index
      %get3A_354 = arith.constant 16 : index
      %get3A_355 = tpu.vector_load %arg6[%get3A_353, %get3A_354] {strides = array<i32>} : memref<640x128xf32, #tpu.memory_space<vmem>>, vector<1x16xf32>,
      %get3A_356 = vector.shape_cast %get3A_355 : vector<1x16xf32> to vector<16xf32>
      %add3A_357 = arith.addf %add3A_350, %get3A_356 : vector<16xf32>
      %add3A_358 = arith.constant 6 : i32
      %add3A_359 = arith.addi %mul3A_176, %add3A_358 : i32
      %get3A_360 = arith.index_cast %add3A_359 : i32 to index
      %get3A_361 = arith.constant 16 : index
      %get3A_362 = tpu.vector_load %arg6[%get3A_360, %get3A_361] {strides = array<i32>} : memref<640x128xf32, #tpu.memory_space<vmem>>, vector<1x16xf32>,
      %get3A_363 = vector.shape_cast %get3A_362 : vector<1x16xf32> to vector<16xf32>
      %add3A_364 = arith.addf %add3A_357, %get3A_363 : vector<16xf32>
      %add3A_365 = arith.constant 7 : i32
      %add3A_366 = arith.addi %mul3A_176, %add3A_365 : i32
      %get3A_367 = arith.index_cast %add3A_366 : i32 to index
      %get3A_368 = arith.constant 16 : index
      %get3A_369 = tpu.vector_load %arg6[%get3A_367, %get3A_368] {strides = array<i32>} : memref<640x128xf32, #tpu.memory_space<vmem>>, vector<1x16xf32>,
      %get3A_370 = vector.shape_cast %get3A_369 : vector<1x16xf32> to vector<16xf32>
      %add3A_371 = arith.addf %add3A_364, %get3A_370 : vector<16xf32>
      %add3A_372 = arith.constant 8 : i32
      %add3A_373 = arith.addi %mul3A_176, %add3A_372 : i32
      %get3A_374 = arith.index_cast %add3A_373 : i32 to index
      %get3A_375 = arith.constant 16 : index
      %get3A_376 = tpu.vector_load %arg6[%get3A_374, %get3A_375] {strides = array<i32>} : memref<640x128xf32, #tpu.memory_space<vmem>>, vector<1x16xf32>,
      %get3A_377 = vector.shape_cast %get3A_376 : vector<1x16xf32> to vector<16xf32>
      %add3A_378 = arith.addf %add3A_371, %get3A_377 : vector<16xf32>
      %add3A_379 = arith.constant 9 : i32
      %add3A_380 = arith.addi %mul3A_176, %add3A_379 : i32
      %get3A_381 = arith.index_cast %add3A_380 : i32 to index
      %get3A_382 = arith.constant 16 : index
      %get3A_383 = tpu.vector_load %arg6[%get3A_381, %get3A_382] {strides = array<i32>} : memref<640x128xf32, #tpu.memory_space<vmem>>, vector<1x16xf32>,
      %get3A_384 = vector.shape_cast %get3A_383 : vector<1x16xf32> to vector<16xf32>
      %add3A_385 = arith.addf %add3A_378, %get3A_384 : vector<16xf32>
      %add3A_386 = arith.constant 10 : i32
      %add3A_387 = arith.addi %mul3A_176, %add3A_386 : i32
      %get3A_388 = arith.index_cast %add3A_387 : i32 to index
      %get3A_389 = arith.constant 16 : index
      %get3A_390 = tpu.vector_load %arg6[%get3A_388, %get3A_389] {strides = array<i32>} : memref<640x128xf32, #tpu.memory_space<vmem>>, vector<1x16xf32>,
      %get3A_391 = vector.shape_cast %get3A_390 : vector<1x16xf32> to vector<16xf32>
      %add3A_392 = arith.addf %add3A_385, %get3A_391 : vector<16xf32>
      %add3A_393 = arith.constant 11 : i32
      %add3A_394 = arith.addi %mul3A_176, %add3A_393 : i32
      %get3A_395 = arith.index_cast %add3A_394 : i32 to index
      %get3A_396 = arith.constant 16 : index
      %get3A_397 = tpu.vector_load %arg6[%get3A_395, %get3A_396] {strides = array<i32>} : memref<640x128xf32, #tpu.memory_space<vmem>>, vector<1x16xf32>,
      %get3A_398 = vector.shape_cast %get3A_397 : vector<1x16xf32> to vector<16xf32>
      %add3A_399 = arith.addf %add3A_392, %get3A_398 : vector<16xf32>
      %add3A_400 = arith.constant 12 : i32
      %add3A_401 = arith.addi %mul3A_176, %add3A_400 : i32
      %get3A_402 = arith.index_cast %add3A_401 : i32 to index
      %get3A_403 = arith.constant 16 : index
      %get3A_404 = tpu.vector_load %arg6[%get3A_402, %get3A_403] {strides = array<i32>} : memref<640x128xf32, #tpu.memory_space<vmem>>, vector<1x16xf32>,
      %get3A_405 = vector.shape_cast %get3A_404 : vector<1x16xf32> to vector<16xf32>
      %add3A_406 = arith.addf %add3A_399, %get3A_405 : vector<16xf32>
      %add3A_407 = arith.constant 13 : i32
      %add3A_408 = arith.addi %mul3A_176, %add3A_407 : i32
      %get3A_409 = arith.index_cast %add3A_408 : i32 to index
      %get3A_410 = arith.constant 16 : index
      %get3A_411 = tpu.vector_load %arg6[%get3A_409, %get3A_410] {strides = array<i32>} : memref<640x128xf32, #tpu.memory_space<vmem>>, vector<1x16xf32>,
      %get3A_412 = vector.shape_cast %get3A_411 : vector<1x16xf32> to vector<16xf32>
      %add3A_413 = arith.addf %add3A_406, %get3A_412 : vector<16xf32>
      %add3A_414 = arith.constant 14 : i32
      %add3A_415 = arith.addi %mul3A_176, %add3A_414 : i32
      %get3A_416 = arith.index_cast %add3A_415 : i32 to index
      %get3A_417 = arith.constant 16 : index
      %get3A_418 = tpu.vector_load %arg6[%get3A_416, %get3A_417] {strides = array<i32>} : memref<640x128xf32, #tpu.memory_space<vmem>>, vector<1x16xf32>,
      %get3A_419 = vector.shape_cast %get3A_418 : vector<1x16xf32> to vector<16xf32>
      %add3A_420 = arith.addf %add3A_413, %get3A_419 : vector<16xf32>
      %add3A_421 = arith.constant 15 : i32
      %add3A_422 = arith.addi %mul3A_176, %add3A_421 : i32
      %get3A_423 = arith.index_cast %add3A_422 : i32 to index
      %get3A_424 = arith.constant 16 : index
      %get3A_425 = tpu.vector_load %arg6[%get3A_423, %get3A_424] {strides = array<i32>} : memref<640x128xf32, #tpu.memory_space<vmem>>, vector<1x16xf32>,
      %get3A_426 = vector.shape_cast %get3A_425 : vector<1x16xf32> to vector<16xf32>
      %add3A_427 = arith.addf %add3A_420, %get3A_426 : vector<16xf32>
      %add3A_428 = arith.constant 16 : i32
      %add3A_429 = arith.addi %mul3A_176, %add3A_428 : i32
      %get3A_430 = arith.index_cast %add3A_429 : i32 to index
      %get3A_431 = arith.constant 16 : index
      %get3A_432 = tpu.vector_load %arg6[%get3A_430, %get3A_431] {strides = array<i32>} : memref<640x128xf32, #tpu.memory_space<vmem>>, vector<1x16xf32>,
      %get3A_433 = vector.shape_cast %get3A_432 : vector<1x16xf32> to vector<16xf32>
      %add3A_434 = arith.addf %add3A_427, %get3A_433 : vector<16xf32>
      %add3A_435 = arith.constant 17 : i32
      %add3A_436 = arith.addi %mul3A_176, %add3A_435 : i32
      %get3A_437 = arith.index_cast %add3A_436 : i32 to index
      %get3A_438 = arith.constant 16 : index
      %get3A_439 = tpu.vector_load %arg6[%get3A_437, %get3A_438] {strides = array<i32>} : memref<640x128xf32, #tpu.memory_space<vmem>>, vector<1x16xf32>,
      %get3A_440 = vector.shape_cast %get3A_439 : vector<1x16xf32> to vector<16xf32>
      %add3A_441 = arith.addf %add3A_434, %get3A_440 : vector<16xf32>
      %add3A_442 = arith.constant 18 : i32
      %add3A_443 = arith.addi %mul3A_176, %add3A_442 : i32
      %get3A_444 = arith.index_cast %add3A_443 : i32 to index
      %get3A_445 = arith.constant 16 : index
      %get3A_446 = tpu.vector_load %arg6[%get3A_444, %get3A_445] {strides = array<i32>} : memref<640x128xf32, #tpu.memory_space<vmem>>, vector<1x16xf32>,
      %get3A_447 = vector.shape_cast %get3A_446 : vector<1x16xf32> to vector<16xf32>
      %add3A_448 = arith.addf %add3A_441, %get3A_447 : vector<16xf32>
      %add3A_449 = arith.constant 19 : i32
      %add3A_450 = arith.addi %mul3A_176, %add3A_449 : i32
      %get3A_451 = arith.index_cast %add3A_450 : i32 to index
      %get3A_452 = arith.constant 16 : index
      %get3A_453 = tpu.vector_load %arg6[%get3A_451, %get3A_452] {strides = array<i32>} : memref<640x128xf32, #tpu.memory_space<vmem>>, vector<1x16xf32>,
      %get3A_454 = vector.shape_cast %get3A_453 : vector<1x16xf32> to vector<16xf32>
      %add3A_455 = arith.addf %add3A_448, %get3A_454 : vector<16xf32>
      %mul3A_456 = vector.broadcast %scan3A_166 : f32 to vector<16xf32>
      %mul3A_457 = arith.mulf %add3A_455, %mul3A_456 : vector<16xf32>
      %swap3A_458 = arith.index_cast %scan3A_174 : i32 to index
      %swap3A_459 = arith.constant 16 : index
      %swap3A_460 = tpu.vector_load %arg7[%swap3A_458, %swap3A_459] {strides = array<i32>} : memref<32x64xf32, #tpu.memory_space<vmem>>, vector<1x16xf32>,
      %swap3A_461 = vector.shape_cast %swap3A_460 : vector<1x16xf32> to vector<16xf32>
      %swap3A_462 = vector.shape_cast %mul3A_457 : vector<16xf32> to vector<1x16xf32>
      tpu.vector_store %arg7[%swap3A_458, %swap3A_459], %swap3A_462 {strides = array<i32>} : memref<32x64xf32, #tpu.memory_space<vmem>>, vector<1x16xf32>,
      %get3A_463 = arith.index_cast %mul3A_176 : i32 to index
      %get3A_464 = arith.constant 32 : index
      %get3A_465 = tpu.vector_load %arg6[%get3A_463, %get3A_464] {strides = array<i32>} : memref<640x128xf32, #tpu.memory_space<vmem>>, vector<1x16xf32>,
      %get3A_466 = vector.shape_cast %get3A_465 : vector<1x16xf32> to vector<16xf32>
      %add3A_467 = arith.constant 1 : i32
      %add3A_468 = arith.addi %mul3A_176, %add3A_467 : i32
      %get3A_469 = arith.index_cast %add3A_468 : i32 to index
      %get3A_470 = arith.constant 32 : index
      %get3A_471 = tpu.vector_load %arg6[%get3A_469, %get3A_470] {strides = array<i32>} : memref<640x128xf32, #tpu.memory_space<vmem>>, vector<1x16xf32>,
      %get3A_472 = vector.shape_cast %get3A_471 : vector<1x16xf32> to vector<16xf32>
      %add3A_473 = arith.addf %get3A_466, %get3A_472 : vector<16xf32>
      %add3A_474 = arith.constant 2 : i32
      %add3A_475 = arith.addi %mul3A_176, %add3A_474 : i32
      %get3A_476 = arith.index_cast %add3A_475 : i32 to index
      %get3A_477 = arith.constant 32 : index
      %get3A_478 = tpu.vector_load %arg6[%get3A_476, %get3A_477] {strides = array<i32>} : memref<640x128xf32, #tpu.memory_space<vmem>>, vector<1x16xf32>,
      %get3A_479 = vector.shape_cast %get3A_478 : vector<1x16xf32> to vector<16xf32>
      %add3A_480 = arith.addf %add3A_473, %get3A_479 : vector<16xf32>
      %add3A_481 = arith.constant 3 : i32
      %add3A_482 = arith.addi %mul3A_176, %add3A_481 : i32
      %get3A_483 = arith.index_cast %add3A_482 : i32 to index
      %get3A_484 = arith.constant 32 : index
      %get3A_485 = tpu.vector_load %arg6[%get3A_483, %get3A_484] {strides = array<i32>} : memref<640x128xf32, #tpu.memory_space<vmem>>, vector<1x16xf32>,
      %get3A_486 = vector.shape_cast %get3A_485 : vector<1x16xf32> to vector<16xf32>
      %add3A_487 = arith.addf %add3A_480, %get3A_486 : vector<16xf32>
      %add3A_488 = arith.constant 4 : i32
      %add3A_489 = arith.addi %mul3A_176, %add3A_488 : i32
      %get3A_490 = arith.index_cast %add3A_489 : i32 to index
      %get3A_491 = arith.constant 32 : index
      %get3A_492 = tpu.vector_load %arg6[%get3A_490, %get3A_491] {strides = array<i32>} : memref<640x128xf32, #tpu.memory_space<vmem>>, vector<1x16xf32>,
      %get3A_493 = vector.shape_cast %get3A_492 : vector<1x16xf32> to vector<16xf32>
      %add3A_494 = arith.addf %add3A_487, %get3A_493 : vector<16xf32>
      %add3A_495 = arith.constant 5 : i32
      %add3A_496 = arith.addi %mul3A_176, %add3A_495 : i32
      %get3A_497 = arith.index_cast %add3A_496 : i32 to index
      %get3A_498 = arith.constant 32 : index
      %get3A_499 = tpu.vector_load %arg6[%get3A_497, %get3A_498] {strides = array<i32>} : memref<640x128xf32, #tpu.memory_space<vmem>>, vector<1x16xf32>,
      %get3A_500 = vector.shape_cast %get3A_499 : vector<1x16xf32> to vector<16xf32>
      %add3A_501 = arith.addf %add3A_494, %get3A_500 : vector<16xf32>
      %add3A_502 = arith.constant 6 : i32
      %add3A_503 = arith.addi %mul3A_176, %add3A_502 : i32
      %get3A_504 = arith.index_cast %add3A_503 : i32 to index
      %get3A_505 = arith.constant 32 : index
      %get3A_506 = tpu.vector_load %arg6[%get3A_504, %get3A_505] {strides = array<i32>} : memref<640x128xf32, #tpu.memory_space<vmem>>, vector<1x16xf32>,
      %get3A_507 = vector.shape_cast %get3A_506 : vector<1x16xf32> to vector<16xf32>
      %add3A_508 = arith.addf %add3A_501, %get3A_507 : vector<16xf32>
      %add3A_509 = arith.constant 7 : i32
      %add3A_510 = arith.addi %mul3A_176, %add3A_509 : i32
      %get3A_511 = arith.index_cast %add3A_510 : i32 to index
      %get3A_512 = arith.constant 32 : index
      %get3A_513 = tpu.vector_load %arg6[%get3A_511, %get3A_512] {strides = array<i32>} : memref<640x128xf32, #tpu.memory_space<vmem>>, vector<1x16xf32>,
      %get3A_514 = vector.shape_cast %get3A_513 : vector<1x16xf32> to vector<16xf32>
      %add3A_515 = arith.addf %add3A_508, %get3A_514 : vector<16xf32>
      %add3A_516 = arith.constant 8 : i32
      %add3A_517 = arith.addi %mul3A_176, %add3A_516 : i32
      %get3A_518 = arith.index_cast %add3A_517 : i32 to index
      %get3A_519 = arith.constant 32 : index
      %get3A_520 = tpu.vector_load %arg6[%get3A_518, %get3A_519] {strides = array<i32>} : memref<640x128xf32, #tpu.memory_space<vmem>>, vector<1x16xf32>,
      %get3A_521 = vector.shape_cast %get3A_520 : vector<1x16xf32> to vector<16xf32>
      %add3A_522 = arith.addf %add3A_515, %get3A_521 : vector<16xf32>
      %add3A_523 = arith.constant 9 : i32
      %add3A_524 = arith.addi %mul3A_176, %add3A_523 : i32
      %get3A_525 = arith.index_cast %add3A_524 : i32 to index
      %get3A_526 = arith.constant 32 : index
      %get3A_527 = tpu.vector_load %arg6[%get3A_525, %get3A_526] {strides = array<i32>} : memref<640x128xf32, #tpu.memory_space<vmem>>, vector<1x16xf32>,
      %get3A_528 = vector.shape_cast %get3A_527 : vector<1x16xf32> to vector<16xf32>
      %add3A_529 = arith.addf %add3A_522, %get3A_528 : vector<16xf32>
      %add3A_530 = arith.constant 10 : i32
      %add3A_531 = arith.addi %mul3A_176, %add3A_530 : i32
      %get3A_532 = arith.index_cast %add3A_531 : i32 to index
      %get3A_533 = arith.constant 32 : index
      %get3A_534 = tpu.vector_load %arg6[%get3A_532, %get3A_533] {strides = array<i32>} : memref<640x128xf32, #tpu.memory_space<vmem>>, vector<1x16xf32>,
      %get3A_535 = vector.shape_cast %get3A_534 : vector<1x16xf32> to vector<16xf32>
      %add3A_536 = arith.addf %add3A_529, %get3A_535 : vector<16xf32>
      %add3A_537 = arith.constant 11 : i32
      %add3A_538 = arith.addi %mul3A_176, %add3A_537 : i32
      %get3A_539 = arith.index_cast %add3A_538 : i32 to index
      %get3A_540 = arith.constant 32 : index
      %get3A_541 = tpu.vector_load %arg6[%get3A_539, %get3A_540] {strides = array<i32>} : memref<640x128xf32, #tpu.memory_space<vmem>>, vector<1x16xf32>,
      %get3A_542 = vector.shape_cast %get3A_541 : vector<1x16xf32> to vector<16xf32>
      %add3A_543 = arith.addf %add3A_536, %get3A_542 : vector<16xf32>
      %add3A_544 = arith.constant 12 : i32
      %add3A_545 = arith.addi %mul3A_176, %add3A_544 : i32
      %get3A_546 = arith.index_cast %add3A_545 : i32 to index
      %get3A_547 = arith.constant 32 : index
      %get3A_548 = tpu.vector_load %arg6[%get3A_546, %get3A_547] {strides = array<i32>} : memref<640x128xf32, #tpu.memory_space<vmem>>, vector<1x16xf32>,
      %get3A_549 = vector.shape_cast %get3A_548 : vector<1x16xf32> to vector<16xf32>
      %add3A_550 = arith.addf %add3A_543, %get3A_549 : vector<16xf32>
      %add3A_551 = arith.constant 13 : i32
      %add3A_552 = arith.addi %mul3A_176, %add3A_551 : i32
      %get3A_553 = arith.index_cast %add3A_552 : i32 to index
      %get3A_554 = arith.constant 32 : index
      %get3A_555 = tpu.vector_load %arg6[%get3A_553, %get3A_554] {strides = array<i32>} : memref<640x128xf32, #tpu.memory_space<vmem>>, vector<1x16xf32>,
      %get3A_556 = vector.shape_cast %get3A_555 : vector<1x16xf32> to vector<16xf32>
      %add3A_557 = arith.addf %add3A_550, %get3A_556 : vector<16xf32>
      %add3A_558 = arith.constant 14 : i32
      %add3A_559 = arith.addi %mul3A_176, %add3A_558 : i32
      %get3A_560 = arith.index_cast %add3A_559 : i32 to index
      %get3A_561 = arith.constant 32 : index
      %get3A_562 = tpu.vector_load %arg6[%get3A_560, %get3A_561] {strides = array<i32>} : memref<640x128xf32, #tpu.memory_space<vmem>>, vector<1x16xf32>,
      %get3A_563 = vector.shape_cast %get3A_562 : vector<1x16xf32> to vector<16xf32>
      %add3A_564 = arith.addf %add3A_557, %get3A_563 : vector<16xf32>
      %add3A_565 = arith.constant 15 : i32
      %add3A_566 = arith.addi %mul3A_176, %add3A_565 : i32
      %get3A_567 = arith.index_cast %add3A_566 : i32 to index
      %get3A_568 = arith.constant 32 : index
      %get3A_569 = tpu.vector_load %arg6[%get3A_567, %get3A_568] {strides = array<i32>} : memref<640x128xf32, #tpu.memory_space<vmem>>, vector<1x16xf32>,
      %get3A_570 = vector.shape_cast %get3A_569 : vector<1x16xf32> to vector<16xf32>
      %add3A_571 = arith.addf %add3A_564, %get3A_570 : vector<16xf32>
      %add3A_572 = arith.constant 16 : i32
      %add3A_573 = arith.addi %mul3A_176, %add3A_572 : i32
      %get3A_574 = arith.index_cast %add3A_573 : i32 to index
      %get3A_575 = arith.constant 32 : index
      %get3A_576 = tpu.vector_load %arg6[%get3A_574, %get3A_575] {strides = array<i32>} : memref<640x128xf32, #tpu.memory_space<vmem>>, vector<1x16xf32>,
      %get3A_577 = vector.shape_cast %get3A_576 : vector<1x16xf32> to vector<16xf32>
      %add3A_578 = arith.addf %add3A_571, %get3A_577 : vector<16xf32>
      %add3A_579 = arith.constant 17 : i32
      %add3A_580 = arith.addi %mul3A_176, %add3A_579 : i32
      %get3A_581 = arith.index_cast %add3A_580 : i32 to index
      %get3A_582 = arith.constant 32 : index
      %get3A_583 = tpu.vector_load %arg6[%get3A_581, %get3A_582] {strides = array<i32>} : memref<640x128xf32, #tpu.memory_space<vmem>>, vector<1x16xf32>,
      %get3A_584 = vector.shape_cast %get3A_583 : vector<1x16xf32> to vector<16xf32>
      %add3A_585 = arith.addf %add3A_578, %get3A_584 : vector<16xf32>
      %add3A_586 = arith.constant 18 : i32
      %add3A_587 = arith.addi %mul3A_176, %add3A_586 : i32
      %get3A_588 = arith.index_cast %add3A_587 : i32 to index
      %get3A_589 = arith.constant 32 : index
      %get3A_590 = tpu.vector_load %arg6[%get3A_588, %get3A_589] {strides = array<i32>} : memref<640x128xf32, #tpu.memory_space<vmem>>, vector<1x16xf32>,
      %get3A_591 = vector.shape_cast %get3A_590 : vector<1x16xf32> to vector<16xf32>
      %add3A_592 = arith.addf %add3A_585, %get3A_591 : vector<16xf32>
      %add3A_593 = arith.constant 19 : i32
      %add3A_594 = arith.addi %mul3A_176, %add3A_593 : i32
      %get3A_595 = arith.index_cast %add3A_594 : i32 to index
      %get3A_596 = arith.constant 32 : index
      %get3A_597 = tpu.vector_load %arg6[%get3A_595, %get3A_596] {strides = array<i32>} : memref<640x128xf32, #tpu.memory_space<vmem>>, vector<1x16xf32>,
      %get3A_598 = vector.shape_cast %get3A_597 : vector<1x16xf32> to vector<16xf32>
      %add3A_599 = arith.addf %add3A_592, %get3A_598 : vector<16xf32>
      %mul3A_600 = vector.broadcast %scan3A_166 : f32 to vector<16xf32>
      %mul3A_601 = arith.mulf %add3A_599, %mul3A_600 : vector<16xf32>
      %swap3A_602 = arith.index_cast %scan3A_174 : i32 to index
      %swap3A_603 = arith.constant 32 : index
      %swap3A_604 = tpu.vector_load %arg7[%swap3A_602, %swap3A_603] {strides = array<i32>} : memref<32x64xf32, #tpu.memory_space<vmem>>, vector<1x16xf32>,
      %swap3A_605 = vector.shape_cast %swap3A_604 : vector<1x16xf32> to vector<16xf32>
      %swap3A_606 = vector.shape_cast %mul3A_601 : vector<16xf32> to vector<1x16xf32>
      tpu.vector_store %arg7[%swap3A_602, %swap3A_603], %swap3A_606 {strides = array<i32>} : memref<32x64xf32, #tpu.memory_space<vmem>>, vector<1x16xf32>,
      %get3A_607 = arith.index_cast %mul3A_176 : i32 to index
      %get3A_608 = arith.constant 48 : index
      %get3A_609 = tpu.vector_load %arg6[%get3A_607, %get3A_608] {strides = array<i32>} : memref<640x128xf32, #tpu.memory_space<vmem>>, vector<1x16xf32>,
      %get3A_610 = vector.shape_cast %get3A_609 : vector<1x16xf32> to vector<16xf32>
      %add3A_611 = arith.constant 1 : i32
      %add3A_612 = arith.addi %mul3A_176, %add3A_611 : i32
      %get3A_613 = arith.index_cast %add3A_612 : i32 to index
      %get3A_614 = arith.constant 48 : index
      %get3A_615 = tpu.vector_load %arg6[%get3A_613, %get3A_614] {strides = array<i32>} : memref<640x128xf32, #tpu.memory_space<vmem>>, vector<1x16xf32>,
      %get3A_616 = vector.shape_cast %get3A_615 : vector<1x16xf32> to vector<16xf32>
      %add3A_617 = arith.addf %get3A_610, %get3A_616 : vector<16xf32>
      %add3A_618 = arith.constant 2 : i32
      %add3A_619 = arith.addi %mul3A_176, %add3A_618 : i32
      %get3A_620 = arith.index_cast %add3A_619 : i32 to index
      %get3A_621 = arith.constant 48 : index
      %get3A_622 = tpu.vector_load %arg6[%get3A_620, %get3A_621] {strides = array<i32>} : memref<640x128xf32, #tpu.memory_space<vmem>>, vector<1x16xf32>,
      %get3A_623 = vector.shape_cast %get3A_622 : vector<1x16xf32> to vector<16xf32>
      %add3A_624 = arith.addf %add3A_617, %get3A_623 : vector<16xf32>
      %add3A_625 = arith.constant 3 : i32
      %add3A_626 = arith.addi %mul3A_176, %add3A_625 : i32
      %get3A_627 = arith.index_cast %add3A_626 : i32 to index
      %get3A_628 = arith.constant 48 : index
      %get3A_629 = tpu.vector_load %arg6[%get3A_627, %get3A_628] {strides = array<i32>} : memref<640x128xf32, #tpu.memory_space<vmem>>, vector<1x16xf32>,
      %get3A_630 = vector.shape_cast %get3A_629 : vector<1x16xf32> to vector<16xf32>
      %add3A_631 = arith.addf %add3A_624, %get3A_630 : vector<16xf32>
      %add3A_632 = arith.constant 4 : i32
      %add3A_633 = arith.addi %mul3A_176, %add3A_632 : i32
      %get3A_634 = arith.index_cast %add3A_633 : i32 to index
      %get3A_635 = arith.constant 48 : index
      %get3A_636 = tpu.vector_load %arg6[%get3A_634, %get3A_635] {strides = array<i32>} : memref<640x128xf32, #tpu.memory_space<vmem>>, vector<1x16xf32>,
      %get3A_637 = vector.shape_cast %get3A_636 : vector<1x16xf32> to vector<16xf32>
      %add3A_638 = arith.addf %add3A_631, %get3A_637 : vector<16xf32>
      %add3A_639 = arith.constant 5 : i32
      %add3A_640 = arith.addi %mul3A_176, %add3A_639 : i32
      %get3A_641 = arith.index_cast %add3A_640 : i32 to index
      %get3A_642 = arith.constant 48 : index
      %get3A_643 = tpu.vector_load %arg6[%get3A_641, %get3A_642] {strides = array<i32>} : memref<640x128xf32, #tpu.memory_space<vmem>>, vector<1x16xf32>,
      %get3A_644 = vector.shape_cast %get3A_643 : vector<1x16xf32> to vector<16xf32>
      %add3A_645 = arith.addf %add3A_638, %get3A_644 : vector<16xf32>
      %add3A_646 = arith.constant 6 : i32
      %add3A_647 = arith.addi %mul3A_176, %add3A_646 : i32
      %get3A_648 = arith.index_cast %add3A_647 : i32 to index
      %get3A_649 = arith.constant 48 : index
      %get3A_650 = tpu.vector_load %arg6[%get3A_648, %get3A_649] {strides = array<i32>} : memref<640x128xf32, #tpu.memory_space<vmem>>, vector<1x16xf32>,
      %get3A_651 = vector.shape_cast %get3A_650 : vector<1x16xf32> to vector<16xf32>
      %add3A_652 = arith.addf %add3A_645, %get3A_651 : vector<16xf32>
      %add3A_653 = arith.constant 7 : i32
      %add3A_654 = arith.addi %mul3A_176, %add3A_653 : i32
      %get3A_655 = arith.index_cast %add3A_654 : i32 to index
      %get3A_656 = arith.constant 48 : index
      %get3A_657 = tpu.vector_load %arg6[%get3A_655, %get3A_656] {strides = array<i32>} : memref<640x128xf32, #tpu.memory_space<vmem>>, vector<1x16xf32>,
      %get3A_658 = vector.shape_cast %get3A_657 : vector<1x16xf32> to vector<16xf32>
      %add3A_659 = arith.addf %add3A_652, %get3A_658 : vector<16xf32>
      %add3A_660 = arith.constant 8 : i32
      %add3A_661 = arith.addi %mul3A_176, %add3A_660 : i32
      %get3A_662 = arith.index_cast %add3A_661 : i32 to index
      %get3A_663 = arith.constant 48 : index
      %get3A_664 = tpu.vector_load %arg6[%get3A_662, %get3A_663] {strides = array<i32>} : memref<640x128xf32, #tpu.memory_space<vmem>>, vector<1x16xf32>,
      %get3A_665 = vector.shape_cast %get3A_664 : vector<1x16xf32> to vector<16xf32>
      %add3A_666 = arith.addf %add3A_659, %get3A_665 : vector<16xf32>
      %add3A_667 = arith.constant 9 : i32
      %add3A_668 = arith.addi %mul3A_176, %add3A_667 : i32
      %get3A_669 = arith.index_cast %add3A_668 : i32 to index
      %get3A_670 = arith.constant 48 : index
      %get3A_671 = tpu.vector_load %arg6[%get3A_669, %get3A_670] {strides = array<i32>} : memref<640x128xf32, #tpu.memory_space<vmem>>, vector<1x16xf32>,
      %get3A_672 = vector.shape_cast %get3A_671 : vector<1x16xf32> to vector<16xf32>
      %add3A_673 = arith.addf %add3A_666, %get3A_672 : vector<16xf32>
      %add3A_674 = arith.constant 10 : i32
      %add3A_675 = arith.addi %mul3A_176, %add3A_674 : i32
      %get3A_676 = arith.index_cast %add3A_675 : i32 to index
      %get3A_677 = arith.constant 48 : index
      %get3A_678 = tpu.vector_load %arg6[%get3A_676, %get3A_677] {strides = array<i32>} : memref<640x128xf32, #tpu.memory_space<vmem>>, vector<1x16xf32>,
      %get3A_679 = vector.shape_cast %get3A_678 : vector<1x16xf32> to vector<16xf32>
      %add3A_680 = arith.addf %add3A_673, %get3A_679 : vector<16xf32>
      %add3A_681 = arith.constant 11 : i32
      %add3A_682 = arith.addi %mul3A_176, %add3A_681 : i32
      %get3A_683 = arith.index_cast %add3A_682 : i32 to index
      %get3A_684 = arith.constant 48 : index
      %get3A_685 = tpu.vector_load %arg6[%get3A_683, %get3A_684] {strides = array<i32>} : memref<640x128xf32, #tpu.memory_space<vmem>>, vector<1x16xf32>,
      %get3A_686 = vector.shape_cast %get3A_685 : vector<1x16xf32> to vector<16xf32>
      %add3A_687 = arith.addf %add3A_680, %get3A_686 : vector<16xf32>
      %add3A_688 = arith.constant 12 : i32
      %add3A_689 = arith.addi %mul3A_176, %add3A_688 : i32
      %get3A_690 = arith.index_cast %add3A_689 : i32 to index
      %get3A_691 = arith.constant 48 : index
      %get3A_692 = tpu.vector_load %arg6[%get3A_690, %get3A_691] {strides = array<i32>} : memref<640x128xf32, #tpu.memory_space<vmem>>, vector<1x16xf32>,
      %get3A_693 = vector.shape_cast %get3A_692 : vector<1x16xf32> to vector<16xf32>
      %add3A_694 = arith.addf %add3A_687, %get3A_693 : vector<16xf32>
      %add3A_695 = arith.constant 13 : i32
      %add3A_696 = arith.addi %mul3A_176, %add3A_695 : i32
      %get3A_697 = arith.index_cast %add3A_696 : i32 to index
      %get3A_698 = arith.constant 48 : index
      %get3A_699 = tpu.vector_load %arg6[%get3A_697, %get3A_698] {strides = array<i32>} : memref<640x128xf32, #tpu.memory_space<vmem>>, vector<1x16xf32>,
      %get3A_700 = vector.shape_cast %get3A_699 : vector<1x16xf32> to vector<16xf32>
      %add3A_701 = arith.addf %add3A_694, %get3A_700 : vector<16xf32>
      %add3A_702 = arith.constant 14 : i32
      %add3A_703 = arith.addi %mul3A_176, %add3A_702 : i32
      %get3A_704 = arith.index_cast %add3A_703 : i32 to index
      %get3A_705 = arith.constant 48 : index
      %get3A_706 = tpu.vector_load %arg6[%get3A_704, %get3A_705] {strides = array<i32>} : memref<640x128xf32, #tpu.memory_space<vmem>>, vector<1x16xf32>,
      %get3A_707 = vector.shape_cast %get3A_706 : vector<1x16xf32> to vector<16xf32>
      %add3A_708 = arith.addf %add3A_701, %get3A_707 : vector<16xf32>
      %add3A_709 = arith.constant 15 : i32
      %add3A_710 = arith.addi %mul3A_176, %add3A_709 : i32
      %get3A_711 = arith.index_cast %add3A_710 : i32 to index
      %get3A_712 = arith.constant 48 : index
      %get3A_713 = tpu.vector_load %arg6[%get3A_711, %get3A_712] {strides = array<i32>} : memref<640x128xf32, #tpu.memory_space<vmem>>, vector<1x16xf32>,
      %get3A_714 = vector.shape_cast %get3A_713 : vector<1x16xf32> to vector<16xf32>
      %add3A_715 = arith.addf %add3A_708, %get3A_714 : vector<16xf32>
      %add3A_716 = arith.constant 16 : i32
      %add3A_717 = arith.addi %mul3A_176, %add3A_716 : i32
      %get3A_718 = arith.index_cast %add3A_717 : i32 to index
      %get3A_719 = arith.constant 48 : index
      %get3A_720 = tpu.vector_load %arg6[%get3A_718, %get3A_719] {strides = array<i32>} : memref<640x128xf32, #tpu.memory_space<vmem>>, vector<1x16xf32>,
      %get3A_721 = vector.shape_cast %get3A_720 : vector<1x16xf32> to vector<16xf32>
      %add3A_722 = arith.addf %add3A_715, %get3A_721 : vector<16xf32>
      %add3A_723 = arith.constant 17 : i32
      %add3A_724 = arith.addi %mul3A_176, %add3A_723 : i32
      %get3A_725 = arith.index_cast %add3A_724 : i32 to index
      %get3A_726 = arith.constant 48 : index
      %get3A_727 = tpu.vector_load %arg6[%get3A_725, %get3A_726] {strides = array<i32>} : memref<640x128xf32, #tpu.memory_space<vmem>>, vector<1x16xf32>,
      %get3A_728 = vector.shape_cast %get3A_727 : vector<1x16xf32> to vector<16xf32>
      %add3A_729 = arith.addf %add3A_722, %get3A_728 : vector<16xf32>
      %add3A_730 = arith.constant 18 : i32
      %add3A_731 = arith.addi %mul3A_176, %add3A_730 : i32
      %get3A_732 = arith.index_cast %add3A_731 : i32 to index
      %get3A_733 = arith.constant 48 : index
      %get3A_734 = tpu.vector_load %arg6[%get3A_732, %get3A_733] {strides = array<i32>} : memref<640x128xf32, #tpu.memory_space<vmem>>, vector<1x16xf32>,
      %get3A_735 = vector.shape_cast %get3A_734 : vector<1x16xf32> to vector<16xf32>
      %add3A_736 = arith.addf %add3A_729, %get3A_735 : vector<16xf32>
      %add3A_737 = arith.constant 19 : i32
      %add3A_738 = arith.addi %mul3A_176, %add3A_737 : i32
      %get3A_739 = arith.index_cast %add3A_738 : i32 to index
      %get3A_740 = arith.constant 48 : index
      %get3A_741 = tpu.vector_load %arg6[%get3A_739, %get3A_740] {strides = array<i32>} : memref<640x128xf32, #tpu.memory_space<vmem>>, vector<1x16xf32>,
      %get3A_742 = vector.shape_cast %get3A_741 : vector<1x16xf32> to vector<16xf32>
      %add3A_743 = arith.addf %add3A_736, %get3A_742 : vector<16xf32>
      %mul3A_744 = vector.broadcast %scan3A_166 : f32 to vector<16xf32>
      %mul3A_745 = arith.mulf %add3A_743, %mul3A_744 : vector<16xf32>
      %swap3A_746 = arith.index_cast %scan3A_174 : i32 to index
      %swap3A_747 = arith.constant 48 : index
      %swap3A_748 = tpu.vector_load %arg7[%swap3A_746, %swap3A_747] {strides = array<i32>} : memref<32x64xf32, #tpu.memory_space<vmem>>, vector<1x16xf32>,
      %swap3A_749 = vector.shape_cast %swap3A_748 : vector<1x16xf32> to vector<16xf32>
      %swap3A_750 = vector.shape_cast %mul3A_745 : vector<16xf32> to vector<1x16xf32>
      tpu.vector_store %arg7[%swap3A_746, %swap3A_747], %swap3A_750 {strides = array<i32>} : memref<32x64xf32, #tpu.memory_space<vmem>>, vector<1x16xf32>,
    }
    %scan3A_171 = arith.constant 16 : i32
    %mul3A_172 = arith.constant 32 : i32
    %mul3A_173 = arith.muli %add3A, %mul3A_172 : i32
    "tpu.region"() ({
      %run_scoped3A = tpu.sem_alloc : memref<!tpu.dma_semaphore, #tpu.memory_space<semaphore_mem>>
      %dma_start3A_174 = arith.constant 0 : i32
      %dma_start3A_175 = tpu.memref_slice %arg4[%mul3A_173, %dma_start3A_174] : memref<1024x64xf32, #tpu.memory_space<hbm>> -> memref<32x64xf32, #tpu.memory_space<hbm>>
      %dma_start3A_176 = arith.constant 0 : i32
      %dma_start3A_177 = tpu.memref_slice %arg4[%mul3A_173, %dma_start3A_176] : memref<1024x64xf32, #tpu.memory_space<hbm>> -> memref<32x64xf32, #tpu.memory_space<hbm>>
      tpu.enqueue_dma source(%arg7 : memref<32x64xf32, #tpu.memory_space<vmem>>) target(%dma_start3A_177 : memref<32x64xf32, #tpu.memory_space<hbm>>) target_semaphore(%run_scoped3A : memref<!tpu.dma_semaphore, #tpu.memory_space<semaphore_mem>>)
      %dma_wait3A_178 = arith.constant 0 : i32
      %dma_wait3A_179 = tpu.memref_slice %arg4[%mul3A_173, %dma_wait3A_178] : memref<1024x64xf32, #tpu.memory_space<hbm>> -> memref<32x64xf32, #tpu.memory_space<hbm>>
      %dma_wait3A_180 = arith.constant 0 : i32
      %dma_wait3A_181 = tpu.memref_slice %arg4[%mul3A_173, %dma_wait3A_180] : memref<1024x64xf32, #tpu.memory_space<hbm>> -> memref<32x64xf32, #tpu.memory_space<hbm>>
      tpu.wait_dma2 semaphore(%run_scoped3A : memref<!tpu.dma_semaphore, #tpu.memory_space<semaphore_mem>>) src(%arg7 : memref<32x64xf32, #tpu.memory_space<vmem>>) dst(%dma_wait3A_181 : memref<32x64xf32, #tpu.memory_space<hbm>>)
      tpu.yield
    }) : () -> ()
    return
  }
}

</mosaic_0001>

<sc_bundles>
// kernel: _mean_embed_sc.3.cloned.1.call-start
scs
__scs_entry_jumppad:
0x0: {  	(pc) =	sbr.rel $0x88, $3  }
0x1: {  	(tag) =	ssettag $0x0;
	lr =	simm.s32 $0x1  }
0x2: {  	[smem:$0x3F9F] =	sst lr;
	_ =	strace $0xD0000000  }
0x3: {  	_ = 	snop  }
0x4: {  	_ = 	snop  }
0x5: {  	_ = 	snop  }
0x6: {  	_ = 	snop  }
0x7: {  	_ = 	snop  }
__scs_overlays_trampoline_lowered:
0x8: {  	[smem:$0x3FAE] =	sst s0  }
0x9: {  	[smem:$0x3FAF] =	sst s1  }
0xa: {  	[smem:$0x3FB0] =	sst s2  }
0xb: {  	[smem:$0x3FB1] =	sst s3  }
0xc: {  	[smem:$0x3FB2] =	sst s4  }
0xd: {  	[smem:$0x3FB3] =	sst s5  }
0xe: {  	[smem:$0x3FB4] =	sst s6  }
0xf: {  	[smem:$0x3FB5] =	sst s7  }
0x10: {  	[smem:$0x3FB6] =	sst s8  }
0x11: {  	[smem:$0x3FB7] =	sst s9;
	s0 =	simm.s32 @!p0 $0x0  }
0x12: {  	s1 =	sld [smem:$0x3F9D];
	s0 =	simm.s32 @p0 $0x1  }
0x13: {  	[smem:$0x3FB8] =	sst s0;
	s0 =	simm.s32 @!p1 $0x0  }
0x14: {  	s2 =	sld [smem:$0x3F9C];
	s0 =	simm.s32 @p1 $0x1  }
0x15: {  	[smem:$0x3FB9] =	sst s0;
	s0 =	simm.s32 @!p2 $0x0  }
0x16: {  	s3 =	sld [smem:$0x3FDB];
	s0 =	simm.s32 @p2 $0x1  }
0x17: {  	s4 =	simm.s32 $0x1BF5;
	[smem:$0x3FBB] =	sst s0  }
0x18: {  	s0 =	sld [smem:$0x3F9E];
	_ =	swait.ge [sflag:s4], $0x0  }
0x19: {  	s7 =	sld [smem:$0x3F9F]  }
0x1a: {  	s8 =	sadd.s32 $0xFFFFE003, lr  }
0x1b: {  	s9 =	sadd.s32 $0xFFFFFEF7, lr;
	s5 =	simm.s32 $0xFFFFFFFF;
	p2 =	slt.u32 s8, $0xFFFFF086  }
0x1c: {  	p1 =	slt.u32 s9, $0xF7A;
	s5 =	simm.s32 @!p2 $0x0  }
0x1d: {  	s5 =	simm.s32 @p1 $0x1;
	p0 =	seq.s32 s7, s2  }
0x1e: {  	s7 =	smul.u32 @!p0 $0xF7A, s2;
	p2 =	seq.s32 @!p0 s5, $0x0  }
0x1f: {  	s9 =	smul.u32 $0xF7A, s1;
	s8 =	simm.s32 @!p0 $0x1BF5;
	p2 =	por !p2, p0  }
0x20: {  	[sflag:s8] =	ssyncset.s32 @!p0 $0xFFFFF086;
	s6 =	sadd.s32 @!p0 s3, s7;
	s7 =	simm.s32 @!p0 $0x108  }
0x21: {  	s3 =	sadd.s32 s3, s9;
	s6 =	sadd.s32 @!p0 $0x88, s6;
	s7 =	simm.s32 @p2 $0x1082  }
0x22: {  	[simem:s7], [sflag:s8] =	dma.local @!p0 [hbm:s6], $0xF7A  }
0x23: {  	s9 =	sor.u32 $0xD0000000, s2;
	s6 =	simm.s32 $0x108;
	_ =	swait.ge @!p0 [sflag:s8], $0x0  }
0x24: {  	s3 =	sadd.s32 $0x88, s3;
	s6 =	simm.s32 @!p1 $0x1082;
	[sflag:s4] =	ssyncset.s32 $0xFFFFF086  }
0x25: {  	[simem:s6], [sflag:s4] =	dma.local [hbm:s3], $0xF7A  }
0x26: {  	[smem:$0x3F9F] =	sst s1;
	(tag) =	ssettag s2;
	_ =	strace s9  }
0x27: {  	s1 =	sld [smem:$0x3FAF]  }
0x28: {  	s2 =	sld [smem:$0x3FB0]  }
0x29: {  	s4 =	sld [smem:$0x3FB2]  }
0x2a: {  	p0 =	seq.s32 s5, $0x0;
	s5 =	sld [smem:$0x3FB3]  }
0x2b: {  	s6 =	sld [smem:$0x3FB4]  }
0x2c: {  	s7 =	sld [smem:$0x3FB5]  }
0x2d: {  	s3 =	simm.s32 $0x108;
	s8 =	sld [smem:$0x3FB6]  }
0x2e: {  	s3 =	simm.s32 @!p0 $0x1082;
	s9 =	sld [smem:$0x3FB7]  }
0x2f: {  	lr =	sadd.s32 s0, s3;
	s0 =	sld [smem:$0x3FAE]  }
0x30: {  	s3 =	sld [smem:$0x3FB1]  }
0x31: {  	[smem:$0x3FBA] =	sst s10  }
0x32: {  	s10 =	sld [smem:$0x3FB8];
	_ =	sdelay $0x3  }
0x33: {  	p0 =	seq.s32 s10, $0x1;
	s10 =	sld [smem:$0x3FBA];
	_ =	sdelay $0x3  }
0x34: {  	[smem:$0x3FBA] =	sst s10  }
0x35: {  	s10 =	sld [smem:$0x3FB9];
	_ =	sdelay $0x3  }
0x36: {  	p1 =	seq.s32 s10, $0x1;
	s10 =	sld [smem:$0x3FBA];
	_ =	sdelay $0x3  }
0x37: {  	[smem:$0x3FBA] =	sst s10  }
0x38: {  	s10 =	sld [smem:$0x3FBB]  }
0x39: {  	_ = 	snop;
	(pc) =	sbr.ind lr, $3  }
0x3a: {  	_ = 	snop  }
0x3b: {  	_ = 	snop  }
0x3c: {  	p2 =	seq.s32 s10, $0x1;
	s10 =	sld [smem:$0x3FBA]  }
0x3d: {  	_ =	shalt  }
0x3e: {  	_ =	shalt  }
0x3f: {  	_ =	shalt  }
0x40: {  	_ =	shalt  }
0x41: {  	_ =	shalt  }
0x42: {  	_ =	shalt  }
0x43: {  	_ =	shalt  }
0x44: {  	_ =	shalt  }
0x45: {  	_ =	shalt  }
0x46: {  	_ =	shalt  }
0x47: {  	_ =	shalt  }
0x48: {  	_ =	shalt  }
0x49: {  	_ =	shalt  }
0x4a: {  	_ =	shalt  }
0x4b: {  	_ =	shalt  }
0x4c: {  	_ =	shalt  }
0x4d: {  	_ =	shalt  }
0x4e: {  	_ =	shalt  }
0x4f: {  	_ =	shalt  }
0x50: {  	_ =	shalt  }
0x51: {  	_ =	shalt  }
0x52: {  	_ =	shalt  }
0x53: {  	_ =	shalt  }
0x54: {  	_ =	shalt  }
0x55: {  	_ =	shalt  }
0x56: {  	_ =	shalt  }
0x57: {  	_ =	shalt  }
0x58: {  	_ =	shalt  }
0x59: {  	_ =	shalt  }
0x5a: {  	_ =	shalt  }
0x5b: {  	_ =	shalt  }
0x5c: {  	_ =	shalt  }
0x5d: {  	_ =	shalt  }
0x5e: {  	_ =	shalt  }
0x5f: {  	_ =	shalt  }
0x60: {  	_ =	shalt  }
0x61: {  	_ =	shalt  }
0x62: {  	_ =	shalt  }
0x63: {  	_ =	shalt  }
0x64: {  	_ =	shalt  }
0x65: {  	_ =	shalt  }
0x66: {  	_ =	shalt  }
0x67: {  	_ =	shalt  }
0x68: {  	_ =	shalt  }
0x69: {  	_ =	shalt  }
0x6a: {  	_ =	shalt  }
0x6b: {  	_ =	shalt  }
0x6c: {  	_ =	shalt  }
0x6d: {  	_ =	shalt  }
0x6e: {  	_ =	shalt  }
0x6f: {  	_ =	shalt  }
0x70: {  	_ =	shalt  }
0x71: {  	_ =	shalt  }
0x72: {  	_ =	shalt  }
0x73: {  	_ =	shalt  }
0x74: {  	_ =	shalt  }
0x75: {  	_ =	shalt  }
0x76: {  	_ =	shalt  }
0x77: {  	_ =	shalt  }
0x78: {  	_ =	shalt  }
0x79: {  	_ =	shalt  }
0x7a: {  	_ =	shalt  }
0x7b: {  	_ =	shalt  }
0x7c: {  	_ =	shalt  }
0x7d: {  	_ =	shalt  }
0x7e: {  	_ =	shalt  }
0x7f: {  	_ =	shalt  }
0x80: {  	_ =	shalt  }
0x81: {  	_ =	shalt  }
0x82: {  	_ =	shalt  }
0x83: {  	_ =	shalt  }
0x84: {  	_ =	shalt  }
0x85: {  	_ =	shalt  }
0x86: {  	_ =	shalt  }
0x87: {  	_ =	shalt  }
.Lfunc_end0:
.L_simem_size_0:
called_computation_lowered:
.L_overlay_start_0:
0x88: {  	s2 =	sld [smem:$0x3FD9]  }
0x89: {  	s3 =	sld [smem:$0x3FFE];
	_ =	sdelay $0x1  }
0x8a: {  	s1 =	srdreg.scid  }
0x8b: {  	s0 =	sand.u32 $0x1, s1  }
0x8c: {  	s17 =	sshll.u32 s0, $0xA;
	s2 =	sadd.s32 s3, s2  }
0x8d: {  	s2 =	sadd.s32 s2, s17  }
0x8e: {  	[smem:$0x3FC6] =	sst s2  }
0x8f: {  	_ = 	snop  }
0x90: {  	s2 =	sld [smem:$0x3FD0];
	(tm) =	ssettm $0x1  }
0x91: {  	s18 =	sld [smem:$0x3FFB];
	_ =	sdelay $0x3  }
0x92: {  	_ =	strace s18  }
0x93: {  	s3 =	sld [smem:$0x3FFC];
	_ =	sdelay $0x3  }
0x94: {  	_ =	strace s3  }
0x95: {  	s3 =	sld [smem:$0x3FFD];
	_ =	sdelay $0x3  }
0x96: {  	_ =	strace s3  }
0x97: {  	_ =	strace $0x8FFFFFFF  }
0x98: {  	s19 =	sld [smem:$0x3FDB];
	_ =	sdelay $0x1  }
0x99: {  	s4 =	simm.s32 $_scs_section_size  }
0x9a: {  	s5 =	simm.s32 $_size__tile_overlayer_lowered;
	s6 =	simm.s32 $_tile_overlayer_lowered  }
0x9b: {  	s22 =	simm.s32 $0x1BFF;
	s21 =	sshll.u32 s6, $0x1;
	s3 =	sadd.s32 s4, s19  }
0x9c: {  	s7 =	simm.s32 $0x0;
	s20 =	sshll.u32 s5, $0x1;
	s5 =	sadd.s32 s21, s3  }
0x9d: {  	[timem:s7], [sflag:s22] =	dma.local [hbm:s5], s20  }
0x9e: {  	_ =	swait.ge [sflag:s22], s20  }
0x9f: {  	s4 =	ssub.s32 $0x0, s20;
	[sflag:s22] =	ssyncset.done $0x0  }
0xa0: {  	[sflag:s22] =	ssyncadd.s32 s4;
	_ =	sdelay $0x1  }
0xa1: {  	s23 =	simm.s32 $0x1B8B  }
0xa2: {  	_ =	swait.ge [sflag:s23], $0x1  }
0xa3: {  	[sflag:s23] =	ssyncset.done $0x0  }
0xa4: {  	s25 =	simm.s32 $0x1B8E;
	s24 =	sld [smem:$0x3FFE];
	[sflag:s23] =	ssyncadd.s32 $0xFFFFFFFF  }
0xa5: {  	s26 =	simm.s32 $execute0_lowered;
	[smem:$0x3FD2] =	sst s25  }
0xa6: {  	s5 =	sshll.u32 s26, $0x1;
	_ =	strace $0x80000046;
	[dreg:$0x1] =	wrdreg $0xFFFFFFFF  }
0xa7: {  	s28 =	simm.s32 $_size_execute0_lowered;
	s3 =	sadd.s32 s3, s5;
	[dreg:$0x0] =	wrdreg $0x0  }
0xa8: {  	s5 =	sshll.u32 s28, $0x1;
	[dreg:$0x2] =	wrdreg s3  }
0xa9: {  	[dreg:$0x3] =	wrdreg s5  }
0xaa: {  	[dreg:$0x4] =	wrdreg $0xC0  }
0xab: {  	_ =	task [dreg:s7], $0x5FFFF  }
0xac: {  	[dreg:$0x1] =	wrdreg $0xFFFFFFFF  }
0xad: {  	[dreg:$0x0] =	wrdreg $0x60  }
0xae: {  	[dreg:$0x2] =	wrdreg s2  }
0xaf: {  	[dreg:$0x3] =	wrdreg s24  }
0xb0: {  	[dreg:$0x4] =	wrdreg $0x9  }
0xb1: {  	_ =	task.clear_ibuf [dreg:s7], $0x5FFFF;
	_ =	strace $0x90000046  }
0xb2: {  	s29 =	simm.s32 $0x9;
	_ =	strace $0x80000048  }
0xb3: {  	_ =	swait.ge [sflag:s29], $0x1  }
0xb4: {  	[sflag:s29] =	ssyncadd.s32 $0xFFFFFFFF  }
0xb5: {  	_ =	strace $0x90000048  }
0xb6: {  	_ =	sfence  }
0xb7: {  	s30 =	sld [smem:$0x0];
	_ =	sdelay $0x2  }
0xb8: {  	s31 =	sshll.u32 s1, $0xD;
	s1 =	sshrl.u32 s1, $0x2  }
0xb9: {  	s3 =	sand.u32 $0x4000, s31;
	s1 =	sadd.s32 s1, s30  }
0xba: {  	s0 =	sor.u32 s3, s0;
	s1 =	sshll.u32 s1, $0x11  }
0xbb: {  	s0 =	sor.u32 s1, s0  }
0xbc: {  	s0 =	sadd.s32 $0x8F2B, s0  }
0xbd: {  	[sflag:s0] =	ssyncadd.remote.s32 $0x1  }
0xbe: {  	_ =	sfence.sel $0xFFFF  }
0xbf: {  	[dreg:$0x0] =	wrdreg $0xFFFFFFFF;
	(pc) =	sbr.abs _section_cstart, $3  }
0xc0: {  	[dreg:$0x1] =	wrdreg $0xFFFFFFFF  }
0xc1: {  	_ =	task.clear_ibuf [dreg:s7], $0x2FFFF;
	_ =	strace $0x9FFFFFFF  }
0xc2: {  	(tm) =	ssettm $0x7FFFFFFF  }
0xc3: {  	_ =	shalt  }
tec
execute0_lowered:
.L_overlay_start_1:
0x0: {  	(tag) =	ssettag $0x1  }
0x1: {  	s0 =	rddreg [dreg:$0x0]  }
0x2: {  	s4 =	rddreg [dreg:$0x1]  }
0x3: {  	s2 =	simm.s32 $0x0;
	s3 =	srdreg.scid;
	s1 =	stileid.u32  }
0x4: {  	s9 =	simm.s32 $0x400;
	s10 =	simm.s32 $0x80;
	s11 =	simm.s32 $0x2C00  }
0x5: {  	s12 =	simm.s32 $0x100;
	s13 =	simm.s32 $0x5400;
	s14 =	simm.s32 $0x180  }
0x6: {  	s15 =	simm.s32 $0x7C00;
	s16 =	simm.s32 $0x200;
	s17 =	simm.s32 $0xA400  }
0x7: {  	s18 =	simm.s32 $0x280;
	s19 =	simm.s32 $0xCC00;
	s20 =	simm.s32 $0x300  }
0x8: {  	s21 =	simm.s32 $0xF400;
	s22 =	simm.s32 $0x380;
	s23 =	simm.s32 $0x11C00  }
0x9: {  	s24 =	simm.s32 $0x1;
	s25 =	simm.s32 $0x2;
	s26 =	simm.s32 $0x14400  }
0xa: {  	[smem:$0x7FF] =	sst s2;
	s3 =	sand.u32 $0x1, s3;
	s5 =	sshll.u32 s1, $0x1  }
0xb: {  	s28 =	simm.s32 $0x0;
	_ =	strace $0x80000047;
	s5 =	sor.u32 s3, s5  }
0xc: {  	s6 =	ssub.s32 $0x2, s3;
	s3 =	sadd.s32 $0x187000, s4;
	s7 =	sshll.u32 s5, $0x9  }
0xd: {  	s8 =	sshrl.u32 s6, $0x1;
	s31 =	sshll.u32 s5, $0x7;
	s7 =	sadd.s32 s7, s4  }
0xe: {  	s6 =	ssub.s32 s6, s8;
	s4 =	sadd.s32 s0, s31;
	s8 =	simm.s32 $0x50  }
0xf: {  	s5 =	sadd.s32 $0x600, s7;
	s6 =	smax.u32 s6, $0x1;
	s7 =	simm.s32 $0x3  }
.LBB2_1:
0x10: {  	[tilespmem:s2], [sflag:$0x3] =	stream.linear.gather [hbm4b:s4+s2], $0x400, $0x38;
	[tilespmem:$0x15400] =	vst v63  }
0x11: {  	_ =	swait.ge [sflag:s7], $0x400  }
0x12: {  	[sflag:s7] =	ssyncset.done $0x0  }
0x13: {  	[sflag:s7] =	ssyncadd.s32 $0xFFFFFC00  }
0x14: {  	[tilespmem:s9], [sflag:$0x1] =	stream.indirect.gather [hbm4b:s3+s8], $0x80, s2, s8, $0xb8;
	[tilespmem:$0x15400] =	vst v63  }
0x15: {  	_ = 	snop  }
0x16: {  	[tilespmem:s11], [sflag:$0x1] =	stream.indirect.gather [hbm4b:s3+s8], $0x80, s10, s8, $0xb8;
	[tilespmem:$0x15400] =	vst v63  }
0x17: {  	_ = 	snop  }
0x18: {  	[tilespmem:s13], [sflag:$0x1] =	stream.indirect.gather [hbm4b:s3+s8], $0x80, s12, s8, $0xb8;
	[tilespmem:$0x15400] =	vst v63  }
0x19: {  	_ = 	snop  }
0x1a: {  	[tilespmem:s15], [sflag:$0x1] =	stream.indirect.gather [hbm4b:s3+s8], $0x80, s14, s8, $0xb8;
	[tilespmem:$0x15400] =	vst v63  }
0x1b: {  	_ = 	snop  }
0x1c: {  	[tilespmem:s17], [sflag:$0x2] =	stream.indirect.gather [hbm4b:s3+s8], $0x80, s16, s8, $0xb8;
	[tilespmem:$0x15400] =	vst v63  }
0x1d: {  	_ = 	snop  }
0x1e: {  	[tilespmem:s19], [sflag:$0x2] =	stream.indirect.gather [hbm4b:s3+s8], $0x80, s18, s8, $0xb8;
	[tilespmem:$0x15400] =	vst v63  }
0x1f: {  	_ = 	snop  }
0x20: {  	[tilespmem:s21], [sflag:$0x2] =	stream.indirect.gather [hbm4b:s3+s8], $0x80, s20, s8, $0xb8;
	[tilespmem:$0x15400] =	vst v63  }
0x21: {  	_ = 	snop  }
0x22: {  	[tilespmem:s23], [sflag:$0x2] =	stream.indirect.gather [hbm4b:s3+s8], $0x80, s22, s8, $0xb8;
	[tilespmem:$0x15400] =	vst v63  }
0x23: {  	_ =	swait.ge [sflag:s24], $0x2800  }
0x24: {  	[sflag:s24] =	ssyncset.done $0x0  }
0x25: {  	[sflag:s24] =	ssyncadd.s32 $0xFFFFD800  }
0x26: {  	_ =	swait.ge [sflag:s24], $0x2800  }
0x27: {  	[sflag:s24] =	ssyncset.done $0x0  }
0x28: {  	[sflag:s24] =	ssyncadd.s32 $0xFFFFD800  }
0x29: {  	_ =	swait.ge [sflag:s24], $0x2800  }
0x2a: {  	[sflag:s24] =	ssyncset.done $0x0  }
0x2b: {  	[sflag:s24] =	ssyncadd.s32 $0xFFFFD800  }
0x2c: {  	_ =	swait.ge [sflag:s24], $0x2800  }
0x2d: {  	[sflag:s24] =	ssyncset.done $0x0  }
0x2e: {  	s29 =	simm.s32 $0x900;
	[sflag:s24] =	ssyncadd.s32 $0xFFFFD800  }
0x2f: {  	v0 =	vld [tilespmem:s29+$0xFFFFFB80]  }
0x30: {  	v1 =	vld [tilespmem:s29+$0xFFFFFB00];
	_ =	sdelay $0x1  }
0x31: {  	v2 =	vld [tilespmem:s29+$0xFFFFFC00];
	_ =	sdelay $0x1  }
0x32: {  	v3 =	vld [tilespmem:s29+$0xFFFFFC80]  }
0x33: {  	v0 =	vadd.f32 v0, v1  }
0x34: {  	v1 =	vld [tilespmem:s29+$0xFFFFFD00]  }
0x35: {  	v0 =	vadd.f32 v2, v0  }
0x36: {  	v2 =	vld [tilespmem:s29+$0xFFFFFD80]  }
0x37: {  	v0 =	vadd.f32 v3, v0  }
0x38: {  	v3 =	vld [tilespmem:s29+$0xFFFFFE00]  }
0x39: {  	v0 =	vadd.f32 v1, v0  }
0x3a: {  	v1 =	vld [tilespmem:s29+$0xFFFFFE80]  }
0x3b: {  	v0 =	vadd.f32 v2, v0  }
0x3c: {  	v2 =	vld [tilespmem:s29+$0xFFFFFF00]  }
0x3d: {  	v0 =	vadd.f32 v3, v0  }
0x3e: {  	v3 =	vld [tilespmem:s29+$0xFFFFFF80]  }
0x3f: {  	v0 =	vadd.f32 v1, v0  }
0x40: {  	v1 =	vld [tilespmem:s29+$0x0]  }
0x41: {  	v0 =	vadd.f32 v2, v0  }
0x42: {  	v2 =	vld [tilespmem:s29+$0x80]  }
0x43: {  	v0 =	vadd.f32 v3, v0  }
0x44: {  	v3 =	vld [tilespmem:s29+$0x100]  }
0x45: {  	v0 =	vadd.f32 v1, v0  }
0x46: {  	v1 =	vld [tilespmem:s29+$0x180]  }
0x47: {  	v0 =	vadd.f32 v2, v0  }
0x48: {  	v2 =	vld [tilespmem:s29+$0x200]  }
0x49: {  	v0 =	vadd.f32 v3, v0  }
0x4a: {  	v3 =	vld [tilespmem:s29+$0x280]  }
0x4b: {  	v0 =	vadd.f32 v1, v0  }
0x4c: {  	v1 =	vld [tilespmem:s29+$0x300]  }
0x4d: {  	v0 =	vadd.f32 v2, v0  }
0x4e: {  	v2 =	vld [tilespmem:s29+$0x380]  }
0x4f: {  	v0 =	vadd.f32 v3, v0  }
0x50: {  	v3 =	vld [tilespmem:s29+$0x400]  }
0x51: {  	v0 =	vadd.f32 v1, v0  }
0x52: {  	v1 =	vld [tilespmem:s29+$0x480]  }
0x53: {  	v0 =	vadd.f32 v2, v0;
	_ =	sdelay $0x1  }
0x54: {  	v0 =	vadd.f32 v3, v0;
	_ =	sdelay $0x1  }
0x55: {  	v0 =	vadd.f32 v1, v0;
	_ =	sdelay $0x1  }
0x56: {  	v0 =	vmul.f32 $5.000000070e-02, v0  }
0x57: {  	s30 =	simm.s32 $0x0  }
0x58: {  	[tilespmem:s30+$0x14400] =	vst v0  }
0x59: {  	v0 =	vld [tilespmem:s29+$0xFFFFFB10]  }
0x5a: {  	v1 =	vld [tilespmem:s29+$0xFFFFFB90];
	_ =	sdelay $0x1  }
0x5b: {  	v2 =	vld [tilespmem:s29+$0xFFFFFC10];
	_ =	sdelay $0x1  }
0x5c: {  	v3 =	vld [tilespmem:s29+$0xFFFFFC90]  }
0x5d: {  	v0 =	vadd.f32 v1, v0  }
0x5e: {  	v1 =	vld [tilespmem:s29+$0xFFFFFD10]  }
0x5f: {  	v0 =	vadd.f32 v2, v0  }
0x60: {  	v2 =	vld [tilespmem:s29+$0xFFFFFD90]  }
0x61: {  	v0 =	vadd.f32 v3, v0  }
0x62: {  	v3 =	vld [tilespmem:s29+$0xFFFFFE10]  }
0x63: {  	v0 =	vadd.f32 v1, v0  }
0x64: {  	v1 =	vld [tilespmem:s29+$0xFFFFFE90]  }
0x65: {  	v0 =	vadd.f32 v2, v0  }
0x66: {  	v2 =	vld [tilespmem:s29+$0xFFFFFF10]  }
0x67: {  	v0 =	vadd.f32 v3, v0  }
0x68: {  	v3 =	vld [tilespmem:s29+$0xFFFFFF90]  }
0x69: {  	v0 =	vadd.f32 v1, v0  }
0x6a: {  	v1 =	vld [tilespmem:s29+$0x10]  }
0x6b: {  	v0 =	vadd.f32 v2, v0  }
0x6c: {  	v2 =	vld [tilespmem:s29+$0x90]  }
0x6d: {  	v0 =	vadd.f32 v3, v0  }
0x6e: {  	v3 =	vld [tilespmem:s29+$0x110]  }
0x6f: {  	v0 =	vadd.f32 v1, v0  }
0x70: {  	v1 =	vld [tilespmem:s29+$0x190]  }
0x71: {  	v0 =	vadd.f32 v2, v0  }
0x72: {  	v2 =	vld [tilespmem:s29+$0x210]  }
0x73: {  	v0 =	vadd.f32 v3, v0  }
0x74: {  	v3 =	vld [tilespmem:s29+$0x290]  }
0x75: {  	v0 =	vadd.f32 v1, v0  }
0x76: {  	v1 =	vld [tilespmem:s29+$0x310]  }
0x77: {  	v0 =	vadd.f32 v2, v0  }
0x78: {  	v2 =	vld [tilespmem:s29+$0x390]  }
0x79: {  	v0 =	vadd.f32 v3, v0  }
0x7a: {  	v3 =	vld [tilespmem:s29+$0x410]  }
0x7b: {  	v0 =	vadd.f32 v1, v0  }
0x7c: {  	v1 =	vld [tilespmem:s29+$0x490]  }
0x7d: {  	v0 =	vadd.f32 v2, v0;
	_ =	sdelay $0x1  }
0x7e: {  	v0 =	vadd.f32 v3, v0;
	_ =	sdelay $0x1  }
0x7f: {  	v0 =	vadd.f32 v1, v0;
	_ =	sdelay $0x1  }
0x80: {  	v0 =	vmul.f32 $5.000000070e-02, v0;
	_ =	sdelay $0x1  }
0x81: {  	[tilespmem:s30+$0x14410] =	vst v0  }
0x82: {  	v0 =	vld [tilespmem:s29+$0xFFFFFB20]  }
0x83: {  	v1 =	vld [tilespmem:s29+$0xFFFFFBA0];
	_ =	sdelay $0x1  }
0x84: {  	v2 =	vld [tilespmem:s29+$0xFFFFFC20];
	_ =	sdelay $0x1  }
0x85: {  	v3 =	vld [tilespmem:s29+$0xFFFFFCA0]  }
0x86: {  	v0 =	vadd.f32 v1, v0  }
0x87: {  	v1 =	vld [tilespmem:s29+$0xFFFFFD20]  }
0x88: {  	v0 =	vadd.f32 v2, v0  }
0x89: {  	v2 =	vld [tilespmem:s29+$0xFFFFFDA0]  }
0x8a: {  	v0 =	vadd.f32 v3, v0  }
0x8b: {  	v3 =	vld [tilespmem:s29+$0xFFFFFE20]  }
0x8c: {  	v0 =	vadd.f32 v1, v0  }
0x8d: {  	v1 =	vld [tilespmem:s29+$0xFFFFFEA0]  }
0x8e: {  	v0 =	vadd.f32 v2, v0  }
0x8f: {  	v2 =	vld [tilespmem:s29+$0xFFFFFF20]  }
0x90: {  	v0 =	vadd.f32 v3, v0  }
0x91: {  	v3 =	vld [tilespmem:s29+$0xFFFFFFA0]  }
0x92: {  	v0 =	vadd.f32 v1, v0  }
0x93: {  	v1 =	vld [tilespmem:s29+$0x20]  }
0x94: {  	v0 =	vadd.f32 v2, v0  }
0x95: {  	v2 =	vld [tilespmem:s29+$0xA0]  }
0x96: {  	v0 =	vadd.f32 v3, v0  }
0x97: {  	v3 =	vld [tilespmem:s29+$0x120]  }
0x98: {  	v0 =	vadd.f32 v1, v0  }
0x99: {  	v1 =	vld [tilespmem:s29+$0x1A0]  }
0x9a: {  	v0 =	vadd.f32 v2, v0  }
0x9b: {  	v2 =	vld [tilespmem:s29+$0x220]  }
0x9c: {  	v0 =	vadd.f32 v3, v0  }
0x9d: {  	v3 =	vld [tilespmem:s29+$0x2A0]  }
0x9e: {  	v0 =	vadd.f32 v1, v0  }
0x9f: {  	v1 =	vld [tilespmem:s29+$0x320]  }
0xa0: {  	v0 =	vadd.f32 v2, v0  }
0xa1: {  	v2 =	vld [tilespmem:s29+$0x3A0]  }
0xa2: {  	v0 =	vadd.f32 v3, v0  }
0xa3: {  	v3 =	vld [tilespmem:s29+$0x420]  }
0xa4: {  	v0 =	vadd.f32 v1, v0  }
0xa5: {  	v1 =	vld [tilespmem:s29+$0x4A0]  }
0xa6: {  	v0 =	vadd.f32 v2, v0;
	_ =	sdelay $0x1  }
0xa7: {  	v0 =	vadd.f32 v3, v0;
	_ =	sdelay $0x1  }
0xa8: {  	v0 =	vadd.f32 v1, v0;
	_ =	sdelay $0x1  }
0xa9: {  	v0 =	vmul.f32 $5.000000070e-02, v0;
	_ =	sdelay $0x1  }
0xaa: {  	[tilespmem:s30+$0x14420] =	vst v0  }
0xab: {  	v0 =	vld [tilespmem:s29+$0xFFFFFB30]  }
0xac: {  	v1 =	vld [tilespmem:s29+$0xFFFFFBB0];
	_ =	sdelay $0x1  }
0xad: {  	v2 =	vld [tilespmem:s29+$0xFFFFFC30];
	_ =	sdelay $0x1  }
0xae: {  	v3 =	vld [tilespmem:s29+$0xFFFFFCB0]  }
0xaf: {  	v0 =	vadd.f32 v1, v0  }
0xb0: {  	v1 =	vld [tilespmem:s29+$0xFFFFFD30]  }
0xb1: {  	v0 =	vadd.f32 v2, v0  }
0xb2: {  	v2 =	vld [tilespmem:s29+$0xFFFFFDB0]  }
0xb3: {  	v0 =	vadd.f32 v3, v0  }
0xb4: {  	v3 =	vld [tilespmem:s29+$0xFFFFFE30]  }
0xb5: {  	v0 =	vadd.f32 v1, v0  }
0xb6: {  	v1 =	vld [tilespmem:s29+$0xFFFFFEB0]  }
0xb7: {  	v0 =	vadd.f32 v2, v0  }
0xb8: {  	v2 =	vld [tilespmem:s29+$0xFFFFFF30]  }
0xb9: {  	v0 =	vadd.f32 v3, v0  }
0xba: {  	v3 =	vld [tilespmem:s29+$0xFFFFFFB0]  }
0xbb: {  	v0 =	vadd.f32 v1, v0  }
0xbc: {  	v1 =	vld [tilespmem:s29+$0x30]  }
0xbd: {  	v0 =	vadd.f32 v2, v0  }
0xbe: {  	v2 =	vld [tilespmem:s29+$0xB0]  }
0xbf: {  	v0 =	vadd.f32 v3, v0  }
0xc0: {  	v3 =	vld [tilespmem:s29+$0x130]  }
0xc1: {  	v0 =	vadd.f32 v1, v0  }
0xc2: {  	v1 =	vld [tilespmem:s29+$0x1B0]  }
0xc3: {  	v0 =	vadd.f32 v2, v0  }
0xc4: {  	v2 =	vld [tilespmem:s29+$0x230]  }
0xc5: {  	v0 =	vadd.f32 v3, v0  }
0xc6: {  	v3 =	vld [tilespmem:s29+$0x2B0]  }
0xc7: {  	v0 =	vadd.f32 v1, v0  }
0xc8: {  	v1 =	vld [tilespmem:s29+$0x330]  }
0xc9: {  	v0 =	vadd.f32 v2, v0  }
0xca: {  	v2 =	vld [tilespmem:s29+$0x3B0]  }
0xcb: {  	v0 =	vadd.f32 v3, v0;
	_ =	sdelay $0x1  }
0xcc: {  	v3 =	vld [tilespmem:s29+$0x430];
	v0 =	vadd.f32 v1, v0;
	_ =	sdelay $0x1  }
0xcd: {  	v1 =	vadd.f32 v2, v0;
	v0 =	vld [tilespmem:s29+$0x4B0];
	_ =	sdelay $0x2  }
0xce: {  	s31 =	simm.s32 $0x200;
	v1 =	vadd.f32 v3, v1  }
.LBB2_2:
0xcf: {  	p0 =	sne.s32 s31, $0x1E00  }
0xd0: {  	s29 =	sadd.s32 $0xA00, s29;
	s0 =	smov.u32 s31;
	s31 =	sadd.s32 $0x200, s31;
	v0 =	vadd.f32 v0, v1  }
0xd1: {  	_ = 	snop  }
0xd2: {  	v0 =	vmul.f32 $5.000000070e-02, v0;
	_ =	sdelay $0x1  }
0xd3: {  	[tilespmem:s30+$0x14430] =	vst v0  }
0xd4: {  	v0 =	vld [tilespmem:s29+$0xFFFFFB80]  }
0xd5: {  	v1 =	vld [tilespmem:s29+$0xFFFFFB00];
	_ =	sdelay $0x1  }
0xd6: {  	v2 =	vld [tilespmem:s29+$0xFFFFFC00];
	_ =	sdelay $0x1  }
0xd7: {  	v3 =	vld [tilespmem:s29+$0xFFFFFC80]  }
0xd8: {  	v0 =	vadd.f32 v0, v1  }
0xd9: {  	v1 =	vld [tilespmem:s29+$0xFFFFFD00]  }
0xda: {  	v0 =	vadd.f32 v2, v0  }
0xdb: {  	v2 =	vld [tilespmem:s29+$0xFFFFFD80]  }
0xdc: {  	v0 =	vadd.f32 v3, v0  }
0xdd: {  	v3 =	vld [tilespmem:s29+$0xFFFFFE00]  }
0xde: {  	v0 =	vadd.f32 v1, v0  }
0xdf: {  	v1 =	vld [tilespmem:s29+$0xFFFFFE80]  }
0xe0: {  	v0 =	vadd.f32 v2, v0  }
0xe1: {  	v2 =	vld [tilespmem:s29+$0xFFFFFF00]  }
0xe2: {  	v0 =	vadd.f32 v3, v0  }
0xe3: {  	v3 =	vld [tilespmem:s29+$0xFFFFFF80]  }
0xe4: {  	v0 =	vadd.f32 v1, v0  }
0xe5: {  	v1 =	vld [tilespmem:s29+$0x0]  }
0xe6: {  	v0 =	vadd.f32 v2, v0  }
0xe7: {  	v2 =	vld [tilespmem:s29+$0x80]  }
0xe8: {  	v0 =	vadd.f32 v3, v0  }
0xe9: {  	v3 =	vld [tilespmem:s29+$0x100]  }
0xea: {  	v0 =	vadd.f32 v1, v0  }
0xeb: {  	v1 =	vld [tilespmem:s29+$0x180]  }
0xec: {  	v0 =	vadd.f32 v2, v0  }
0xed: {  	v2 =	vld [tilespmem:s29+$0x200]  }
0xee: {  	v0 =	vadd.f32 v3, v0  }
0xef: {  	v3 =	vld [tilespmem:s29+$0x280]  }
0xf0: {  	v0 =	vadd.f32 v1, v0  }
0xf1: {  	v1 =	vld [tilespmem:s29+$0x300]  }
0xf2: {  	v0 =	vadd.f32 v2, v0  }
0xf3: {  	v2 =	vld [tilespmem:s29+$0x380]  }
0xf4: {  	v0 =	vadd.f32 v3, v0  }
0xf5: {  	v3 =	vld [tilespmem:s29+$0x400]  }
0xf6: {  	v0 =	vadd.f32 v1, v0  }
0xf7: {  	v1 =	vld [tilespmem:s29+$0x480]  }
0xf8: {  	v0 =	vadd.f32 v2, v0;
	_ =	sdelay $0x1  }
0xf9: {  	v0 =	vadd.f32 v3, v0;
	_ =	sdelay $0x1  }
0xfa: {  	v0 =	vadd.f32 v1, v0;
	_ =	sdelay $0x1  }
0xfb: {  	v0 =	vmul.f32 $5.000000070e-02, v0  }
0xfc: {  	s30 =	sshra.s32 s0, $0x2  }
0xfd: {  	[tilespmem:s30+$0x14400] =	vst v0  }
0xfe: {  	v0 =	vld [tilespmem:s29+$0xFFFFFB10]  }
0xff: {  	v1 =	vld [tilespmem:s29+$0xFFFFFB90];
	_ =	sdelay $0x1  }
0x100: {  	v2 =	vld [tilespmem:s29+$0xFFFFFC10];
	_ =	sdelay $0x1  }
0x101: {  	v3 =	vld [tilespmem:s29+$0xFFFFFC90]  }
0x102: {  	v0 =	vadd.f32 v1, v0  }
0x103: {  	v1 =	vld [tilespmem:s29+$0xFFFFFD10]  }
0x104: {  	v0 =	vadd.f32 v2, v0  }
0x105: {  	v2 =	vld [tilespmem:s29+$0xFFFFFD90]  }
0x106: {  	v0 =	vadd.f32 v3, v0  }
0x107: {  	v3 =	vld [tilespmem:s29+$0xFFFFFE10]  }
0x108: {  	v0 =	vadd.f32 v1, v0  }
0x109: {  	v1 =	vld [tilespmem:s29+$0xFFFFFE90]  }
0x10a: {  	v0 =	vadd.f32 v2, v0  }
0x10b: {  	v2 =	vld [tilespmem:s29+$0xFFFFFF10]  }
0x10c: {  	v0 =	vadd.f32 v3, v0  }
0x10d: {  	v3 =	vld [tilespmem:s29+$0xFFFFFF90]  }
0x10e: {  	v0 =	vadd.f32 v1, v0  }
0x10f: {  	v1 =	vld [tilespmem:s29+$0x10]  }
0x110: {  	v0 =	vadd.f32 v2, v0  }
0x111: {  	v2 =	vld [tilespmem:s29+$0x90]  }
0x112: {  	v0 =	vadd.f32 v3, v0  }
0x113: {  	v3 =	vld [tilespmem:s29+$0x110]  }
0x114: {  	v0 =	vadd.f32 v1, v0  }
0x115: {  	v1 =	vld [tilespmem:s29+$0x190]  }
0x116: {  	v0 =	vadd.f32 v2, v0  }
0x117: {  	v2 =	vld [tilespmem:s29+$0x210]  }
0x118: {  	v0 =	vadd.f32 v3, v0  }
0x119: {  	v3 =	vld [tilespmem:s29+$0x290]  }
0x11a: {  	v0 =	vadd.f32 v1, v0  }
0x11b: {  	v1 =	vld [tilespmem:s29+$0x310]  }
0x11c: {  	v0 =	vadd.f32 v2, v0  }
0x11d: {  	v2 =	vld [tilespmem:s29+$0x390]  }
0x11e: {  	v0 =	vadd.f32 v3, v0  }
0x11f: {  	v3 =	vld [tilespmem:s29+$0x410]  }
0x120: {  	v0 =	vadd.f32 v1, v0  }
0x121: {  	v1 =	vld [tilespmem:s29+$0x490]  }
0x122: {  	v0 =	vadd.f32 v2, v0;
	_ =	sdelay $0x1  }
0x123: {  	v0 =	vadd.f32 v3, v0;
	_ =	sdelay $0x1  }
0x124: {  	v0 =	vadd.f32 v1, v0;
	_ =	sdelay $0x1  }
0x125: {  	v0 =	vmul.f32 $5.000000070e-02, v0;
	_ =	sdelay $0x1  }
0x126: {  	[tilespmem:s30+$0x14410] =	vst v0  }
0x127: {  	v0 =	vld [tilespmem:s29+$0xFFFFFB20]  }
0x128: {  	v1 =	vld [tilespmem:s29+$0xFFFFFBA0];
	_ =	sdelay $0x1  }
0x129: {  	v2 =	vld [tilespmem:s29+$0xFFFFFC20];
	_ =	sdelay $0x1  }
0x12a: {  	v3 =	vld [tilespmem:s29+$0xFFFFFCA0]  }
0x12b: {  	v0 =	vadd.f32 v1, v0  }
0x12c: {  	v1 =	vld [tilespmem:s29+$0xFFFFFD20]  }
0x12d: {  	v0 =	vadd.f32 v2, v0  }
0x12e: {  	v2 =	vld [tilespmem:s29+$0xFFFFFDA0]  }
0x12f: {  	v0 =	vadd.f32 v3, v0  }
0x130: {  	v3 =	vld [tilespmem:s29+$0xFFFFFE20]  }
0x131: {  	v0 =	vadd.f32 v1, v0  }
0x132: {  	v1 =	vld [tilespmem:s29+$0xFFFFFEA0]  }
0x133: {  	v0 =	vadd.f32 v2, v0  }
0x134: {  	v2 =	vld [tilespmem:s29+$0xFFFFFF20]  }
0x135: {  	v0 =	vadd.f32 v3, v0  }
0x136: {  	v3 =	vld [tilespmem:s29+$0xFFFFFFA0]  }
0x137: {  	v0 =	vadd.f32 v1, v0  }
0x138: {  	v1 =	vld [tilespmem:s29+$0x20]  }
0x139: {  	v0 =	vadd.f32 v2, v0  }
0x13a: {  	v2 =	vld [tilespmem:s29+$0xA0]  }
0x13b: {  	v0 =	vadd.f32 v3, v0  }
0x13c: {  	v3 =	vld [tilespmem:s29+$0x120]  }
0x13d: {  	v0 =	vadd.f32 v1, v0  }
0x13e: {  	v1 =	vld [tilespmem:s29+$0x1A0]  }
0x13f: {  	v0 =	vadd.f32 v2, v0  }
0x140: {  	v2 =	vld [tilespmem:s29+$0x220]  }
0x141: {  	v0 =	vadd.f32 v3, v0  }
0x142: {  	v3 =	vld [tilespmem:s29+$0x2A0]  }
0x143: {  	v0 =	vadd.f32 v1, v0  }
0x144: {  	v1 =	vld [tilespmem:s29+$0x320]  }
0x145: {  	v0 =	vadd.f32 v2, v0  }
0x146: {  	v2 =	vld [tilespmem:s29+$0x3A0]  }
0x147: {  	v0 =	vadd.f32 v3, v0  }
0x148: {  	v3 =	vld [tilespmem:s29+$0x420]  }
0x149: {  	v0 =	vadd.f32 v1, v0  }
0x14a: {  	v1 =	vld [tilespmem:s29+$0x4A0]  }
0x14b: {  	v0 =	vadd.f32 v2, v0;
	_ =	sdelay $0x1  }
0x14c: {  	v0 =	vadd.f32 v3, v0;
	_ =	sdelay $0x1  }
0x14d: {  	v0 =	vadd.f32 v1, v0;
	_ =	sdelay $0x1  }
0x14e: {  	v0 =	vmul.f32 $5.000000070e-02, v0;
	_ =	sdelay $0x1  }
0x14f: {  	[tilespmem:s30+$0x14420] =	vst v0  }
0x150: {  	v0 =	vld [tilespmem:s29+$0xFFFFFB30]  }
0x151: {  	v1 =	vld [tilespmem:s29+$0xFFFFFBB0]  }
0x152: {  	v2 =	vld [tilespmem:s29+$0xFFFFFC30]  }
0x153: {  	v3 =	vld [tilespmem:s29+$0xFFFFFCB0]  }
0x154: {  	v4 =	vld [tilespmem:s29+$0xFFFFFD30]  }
0x155: {  	v5 =	vld [tilespmem:s29+$0xFFFFFDB0]  }
0x156: {  	v0 =	vadd.f32 v1, v0;
	v1 =	vld [tilespmem:s29+$0xFFFFFE30]  }
0x157: {  	v6 =	vld [tilespmem:s29+$0xFFFFFEB0]  }
0x158: {  	v0 =	vadd.f32 v2, v0;
	v2 =	vld [tilespmem:s29+$0xFFFFFF30]  }
0x159: {  	v7 =	vld [tilespmem:s29+$0xFFFFFFB0]  }
0x15a: {  	v0 =	vadd.f32 v3, v0;
	v3 =	vld [tilespmem:s29+$0x30]  }
0x15b: {  	v8 =	vld [tilespmem:s29+$0xB0]  }
0x15c: {  	v0 =	vadd.f32 v4, v0;
	v4 =	vld [tilespmem:s29+$0x130]  }
0x15d: {  	v9 =	vld [tilespmem:s29+$0x1B0]  }
0x15e: {  	v0 =	vadd.f32 v5, v0;
	v5 =	vld [tilespmem:s29+$0x230]  }
0x15f: {  	v10 =	vld [tilespmem:s29+$0x2B0]  }
0x160: {  	v0 =	vadd.f32 v1, v0;
	v1 =	vld [tilespmem:s29+$0x330]  }
0x161: {  	v11 =	vld [tilespmem:s29+$0x3B0]  }
0x162: {  	v6 =	vadd.f32 v6, v0;
	v12 =	vld [tilespmem:s29+$0x430]  }
0x163: {  	v0 =	vld [tilespmem:s29+$0x4B0]  }
0x164: {  	v2 =	vadd.f32 v2, v6;
	_ =	sdelay $0x1  }
0x165: {  	v2 =	vadd.f32 v7, v2;
	_ =	sdelay $0x1  }
0x166: {  	v2 =	vadd.f32 v3, v2;
	_ =	sdelay $0x1  }
0x167: {  	v2 =	vadd.f32 v8, v2;
	_ =	sdelay $0x1  }
0x168: {  	v2 =	vadd.f32 v4, v2;
	_ =	sdelay $0x1  }
0x169: {  	v2 =	vadd.f32 v9, v2;
	_ =	sdelay $0x1  }
0x16a: {  	v2 =	vadd.f32 v5, v2;
	_ =	sdelay $0x1  }
0x16b: {  	v2 =	vadd.f32 v10, v2;
	_ =	sdelay $0x1  }
.Ltmp0:
0x16c: {  	v1 =	vadd.f32 v1, v2;
	(pc) =	sbr.rel @p0 .LBB2_2-.Ltmp0, $3  }
0x16d: {  	_ = 	snop  }
0x16e: {  	v1 =	vadd.f32 v11, v1;
	_ =	sdelay $0x1  }
0x16f: {  	v1 =	vadd.f32 v12, v1  }
0x170: {  	_ = 	snop  }
0x171: {  	v0 =	vadd.f32 v0, v1;
	_ =	sdelay $0x1  }
0x172: {  	v0 =	vmul.f32 $5.000000070e-02, v0;
	_ =	sdelay $0x1  }
0x173: {  	[tilespmem:s30+$0x14430] =	vst v0  }
0x174: {  	_ =	swait.ge [sflag:s25], $0x2800  }
0x175: {  	[sflag:s25] =	ssyncset.done $0x0  }
0x176: {  	[sflag:s25] =	ssyncadd.s32 $0xFFFFD800  }
0x177: {  	_ =	swait.ge [sflag:s25], $0x2800  }
0x178: {  	[sflag:s25] =	ssyncset.done $0x0  }
0x179: {  	[sflag:s25] =	ssyncadd.s32 $0xFFFFD800  }
0x17a: {  	_ =	swait.ge [sflag:s25], $0x2800  }
0x17b: {  	[sflag:s25] =	ssyncset.done $0x0  }
0x17c: {  	[sflag:s25] =	ssyncadd.s32 $0xFFFFD800  }
0x17d: {  	_ =	swait.ge [sflag:s25], $0x2800  }
0x17e: {  	[sflag:s25] =	ssyncset.done $0x0  }
0x17f: {  	s0 =	simm.s32 $0x0;
	[sflag:s25] =	ssyncadd.s32 $0xFFFFD800  }
0x180: {  	v0 =	vld [tilespmem:s0+$0xA400]  }
0x181: {  	v1 =	vld [tilespmem:s0+$0xA480];
	_ =	sdelay $0x1  }
0x182: {  	v2 =	vld [tilespmem:s0+$0xA500];
	_ =	sdelay $0x1  }
0x183: {  	v3 =	vld [tilespmem:s0+$0xA580]  }
0x184: {  	v0 =	vadd.f32 v1, v0  }
0x185: {  	v1 =	vld [tilespmem:s0+$0xA600]  }
0x186: {  	v0 =	vadd.f32 v2, v0  }
0x187: {  	v2 =	vld [tilespmem:s0+$0xA680]  }
0x188: {  	v0 =	vadd.f32 v3, v0  }
0x189: {  	v3 =	vld [tilespmem:s0+$0xA700]  }
0x18a: {  	v0 =	vadd.f32 v1, v0  }
0x18b: {  	v1 =	vld [tilespmem:s0+$0xA780]  }
0x18c: {  	v0 =	vadd.f32 v2, v0  }
0x18d: {  	v2 =	vld [tilespmem:s0+$0xA800]  }
0x18e: {  	v0 =	vadd.f32 v3, v0  }
0x18f: {  	v3 =	vld [tilespmem:s0+$0xA880]  }
0x190: {  	v0 =	vadd.f32 v1, v0  }
0x191: {  	v1 =	vld [tilespmem:s0+$0xA900]  }
0x192: {  	v0 =	vadd.f32 v2, v0  }
0x193: {  	v2 =	vld [tilespmem:s0+$0xA980]  }
0x194: {  	v0 =	vadd.f32 v3, v0  }
0x195: {  	v3 =	vld [tilespmem:s0+$0xAA00]  }
0x196: {  	v0 =	vadd.f32 v1, v0  }
0x197: {  	v1 =	vld [tilespmem:s0+$0xAA80]  }
0x198: {  	v0 =	vadd.f32 v2, v0  }
0x199: {  	v2 =	vld [tilespmem:s0+$0xAB00]  }
0x19a: {  	v0 =	vadd.f32 v3, v0  }
0x19b: {  	v3 =	vld [tilespmem:s0+$0xAB80]  }
0x19c: {  	v0 =	vadd.f32 v1, v0  }
0x19d: {  	v1 =	vld [tilespmem:s0+$0xAC00]  }
0x19e: {  	v0 =	vadd.f32 v2, v0  }
0x19f: {  	v2 =	vld [tilespmem:s0+$0xAC80]  }
0x1a0: {  	v0 =	vadd.f32 v3, v0  }
0x1a1: {  	v3 =	vld [tilespmem:s0+$0xAD00]  }
0x1a2: {  	v0 =	vadd.f32 v1, v0  }
0x1a3: {  	v1 =	vld [tilespmem:s0+$0xAD80]  }
0x1a4: {  	v0 =	vadd.f32 v2, v0;
	_ =	sdelay $0x1  }
0x1a5: {  	v0 =	vadd.f32 v3, v0;
	_ =	sdelay $0x1  }
0x1a6: {  	v0 =	vadd.f32 v1, v0;
	_ =	sdelay $0x1  }
0x1a7: {  	v0 =	vmul.f32 $5.000000070e-02, v0  }
0x1a8: {  	s29 =	simm.s32 $0x14C30  }
0x1a9: {  	[tilespmem:s29+$0xFFFFFFD0] =	vst v0  }
0x1aa: {  	v0 =	vld [tilespmem:s0+$0xA410]  }
0x1ab: {  	v1 =	vld [tilespmem:s0+$0xA490];
	_ =	sdelay $0x1  }
0x1ac: {  	v2 =	vld [tilespmem:s0+$0xA510];
	_ =	sdelay $0x1  }
0x1ad: {  	v3 =	vld [tilespmem:s0+$0xA590]  }
0x1ae: {  	v0 =	vadd.f32 v1, v0  }
0x1af: {  	v1 =	vld [tilespmem:s0+$0xA610]  }
0x1b0: {  	v0 =	vadd.f32 v2, v0  }
0x1b1: {  	v2 =	vld [tilespmem:s0+$0xA690]  }
0x1b2: {  	v0 =	vadd.f32 v3, v0  }
0x1b3: {  	v3 =	vld [tilespmem:s0+$0xA710]  }
0x1b4: {  	v0 =	vadd.f32 v1, v0  }
0x1b5: {  	v1 =	vld [tilespmem:s0+$0xA790]  }
0x1b6: {  	v0 =	vadd.f32 v2, v0  }
0x1b7: {  	v2 =	vld [tilespmem:s0+$0xA810]  }
0x1b8: {  	v0 =	vadd.f32 v3, v0  }
0x1b9: {  	v3 =	vld [tilespmem:s0+$0xA890]  }
0x1ba: {  	v0 =	vadd.f32 v1, v0  }
0x1bb: {  	v1 =	vld [tilespmem:s0+$0xA910]  }
0x1bc: {  	v0 =	vadd.f32 v2, v0  }
0x1bd: {  	v2 =	vld [tilespmem:s0+$0xA990]  }
0x1be: {  	v0 =	vadd.f32 v3, v0  }
0x1bf: {  	v3 =	vld [tilespmem:s0+$0xAA10]  }
0x1c0: {  	v0 =	vadd.f32 v1, v0  }
0x1c1: {  	v1 =	vld [tilespmem:s0+$0xAA90]  }
0x1c2: {  	v0 =	vadd.f32 v2, v0  }
0x1c3: {  	v2 =	vld [tilespmem:s0+$0xAB10]  }
0x1c4: {  	v0 =	vadd.f32 v3, v0  }
0x1c5: {  	v3 =	vld [tilespmem:s0+$0xAB90]  }
0x1c6: {  	v0 =	vadd.f32 v1, v0  }
0x1c7: {  	v1 =	vld [tilespmem:s0+$0xAC10]  }
0x1c8: {  	v0 =	vadd.f32 v2, v0  }
0x1c9: {  	v2 =	vld [tilespmem:s0+$0xAC90]  }
0x1ca: {  	v0 =	vadd.f32 v3, v0  }
0x1cb: {  	v3 =	vld [tilespmem:s0+$0xAD10]  }
0x1cc: {  	v0 =	vadd.f32 v1, v0  }
0x1cd: {  	v1 =	vld [tilespmem:s0+$0xAD90]  }
0x1ce: {  	v0 =	vadd.f32 v2, v0;
	_ =	sdelay $0x1  }
0x1cf: {  	v0 =	vadd.f32 v3, v0;
	_ =	sdelay $0x1  }
0x1d0: {  	v0 =	vadd.f32 v1, v0;
	_ =	sdelay $0x1  }
0x1d1: {  	v0 =	vmul.f32 $5.000000070e-02, v0;
	_ =	sdelay $0x1  }
0x1d2: {  	[tilespmem:s29+$0xFFFFFFE0] =	vst v0  }
0x1d3: {  	v0 =	vld [tilespmem:s0+$0xA420]  }
0x1d4: {  	v1 =	vld [tilespmem:s0+$0xA4A0];
	_ =	sdelay $0x1  }
0x1d5: {  	v2 =	vld [tilespmem:s0+$0xA520];
	_ =	sdelay $0x1  }
0x1d6: {  	v3 =	vld [tilespmem:s0+$0xA5A0]  }
0x1d7: {  	v0 =	vadd.f32 v1, v0  }
0x1d8: {  	v1 =	vld [tilespmem:s0+$0xA620]  }
0x1d9: {  	v0 =	vadd.f32 v2, v0  }
0x1da: {  	v2 =	vld [tilespmem:s0+$0xA6A0]  }
0x1db: {  	v0 =	vadd.f32 v3, v0  }
0x1dc: {  	v3 =	vld [tilespmem:s0+$0xA720]  }
0x1dd: {  	v0 =	vadd.f32 v1, v0  }
0x1de: {  	v1 =	vld [tilespmem:s0+$0xA7A0]  }
0x1df: {  	v0 =	vadd.f32 v2, v0  }
0x1e0: {  	v2 =	vld [tilespmem:s0+$0xA820]  }
0x1e1: {  	v0 =	vadd.f32 v3, v0  }
0x1e2: {  	v3 =	vld [tilespmem:s0+$0xA8A0]  }
0x1e3: {  	v0 =	vadd.f32 v1, v0  }
0x1e4: {  	v1 =	vld [tilespmem:s0+$0xA920]  }
0x1e5: {  	v0 =	vadd.f32 v2, v0  }
0x1e6: {  	v2 =	vld [tilespmem:s0+$0xA9A0]  }
0x1e7: {  	v0 =	vadd.f32 v3, v0  }
0x1e8: {  	v3 =	vld [tilespmem:s0+$0xAA20]  }
0x1e9: {  	v0 =	vadd.f32 v1, v0  }
0x1ea: {  	v1 =	vld [tilespmem:s0+$0xAAA0]  }
0x1eb: {  	v0 =	vadd.f32 v2, v0  }
0x1ec: {  	v2 =	vld [tilespmem:s0+$0xAB20]  }
0x1ed: {  	v0 =	vadd.f32 v3, v0  }
0x1ee: {  	v3 =	vld [tilespmem:s0+$0xABA0]  }
0x1ef: {  	v0 =	vadd.f32 v1, v0  }
0x1f0: {  	v1 =	vld [tilespmem:s0+$0xAC20]  }
0x1f1: {  	v0 =	vadd.f32 v2, v0  }
0x1f2: {  	v2 =	vld [tilespmem:s0+$0xACA0]  }
0x1f3: {  	v0 =	vadd.f32 v3, v0  }
0x1f4: {  	v3 =	vld [tilespmem:s0+$0xAD20]  }
0x1f5: {  	v0 =	vadd.f32 v1, v0  }
0x1f6: {  	v1 =	vld [tilespmem:s0+$0xADA0]  }
0x1f7: {  	v0 =	vadd.f32 v2, v0;
	_ =	sdelay $0x1  }
0x1f8: {  	v0 =	vadd.f32 v3, v0;
	_ =	sdelay $0x1  }
0x1f9: {  	v0 =	vadd.f32 v1, v0;
	_ =	sdelay $0x1  }
0x1fa: {  	v0 =	vmul.f32 $5.000000070e-02, v0;
	_ =	sdelay $0x1  }
0x1fb: {  	[tilespmem:s29+$0xFFFFFFF0] =	vst v0  }
0x1fc: {  	v0 =	vld [tilespmem:s0+$0xA430]  }
0x1fd: {  	v1 =	vld [tilespmem:s0+$0xA4B0];
	_ =	sdelay $0x1  }
0x1fe: {  	v2 =	vld [tilespmem:s0+$0xA530];
	_ =	sdelay $0x1  }
0x1ff: {  	v3 =	vld [tilespmem:s0+$0xA5B0]  }
0x200: {  	v0 =	vadd.f32 v1, v0  }
0x201: {  	v1 =	vld [tilespmem:s0+$0xA630]  }
0x202: {  	v0 =	vadd.f32 v2, v0  }
0x203: {  	v2 =	vld [tilespmem:s0+$0xA6B0]  }
0x204: {  	v0 =	vadd.f32 v3, v0  }
0x205: {  	v3 =	vld [tilespmem:s0+$0xA730]  }
0x206: {  	v0 =	vadd.f32 v1, v0  }
0x207: {  	v1 =	vld [tilespmem:s0+$0xA7B0]  }
0x208: {  	v0 =	vadd.f32 v2, v0  }
0x209: {  	v2 =	vld [tilespmem:s0+$0xA830]  }
0x20a: {  	v0 =	vadd.f32 v3, v0  }
0x20b: {  	v3 =	vld [tilespmem:s0+$0xA8B0]  }
0x20c: {  	v0 =	vadd.f32 v1, v0  }
0x20d: {  	v1 =	vld [tilespmem:s0+$0xA930]  }
0x20e: {  	v0 =	vadd.f32 v2, v0  }
0x20f: {  	v2 =	vld [tilespmem:s0+$0xA9B0]  }
0x210: {  	v0 =	vadd.f32 v3, v0  }
0x211: {  	v3 =	vld [tilespmem:s0+$0xAA30]  }
0x212: {  	v0 =	vadd.f32 v1, v0  }
0x213: {  	v1 =	vld [tilespmem:s0+$0xAAB0]  }
0x214: {  	v0 =	vadd.f32 v2, v0  }
0x215: {  	v2 =	vld [tilespmem:s0+$0xAB30]  }
0x216: {  	v0 =	vadd.f32 v3, v0  }
0x217: {  	v3 =	vld [tilespmem:s0+$0xABB0]  }
0x218: {  	v0 =	vadd.f32 v1, v0  }
0x219: {  	v1 =	vld [tilespmem:s0+$0xAC30]  }
0x21a: {  	v0 =	vadd.f32 v2, v0  }
0x21b: {  	v2 =	vld [tilespmem:s0+$0xACB0]  }
0x21c: {  	v0 =	vadd.f32 v3, v0  }
0x21d: {  	v3 =	vld [tilespmem:s0+$0xAD30]  }
0x21e: {  	v0 =	vadd.f32 v1, v0;
	_ =	sdelay $0x1  }
0x21f: {  	v1 =	vadd.f32 v2, v0;
	v0 =	vld [tilespmem:s0+$0xADB0];
	_ =	sdelay $0x1  }
0x220: {  	s31 =	simm.s32 $0x14C30;
	s30 =	simm.s32 $0x2800;
	v1 =	vadd.f32 v3, v1  }
.LBB2_4:
0x221: {  	p0 =	sne.s32 s30, $0x25800  }
0x222: {  	s29 =	sadd.s32 $0x80, s29;
	s0 =	smov.u32 s30;
	s30 =	sadd.s32 $0x2800, s30  }
0x223: {  	v0 =	vadd.f32 v0, v1;
	_ =	sdelay $0x1  }
0x224: {  	v0 =	vmul.f32 $5.000000070e-02, v0  }
0x225: {  	s0 =	sshra.s32 s0, $0x2  }
0x226: {  	[tilespmem:s31+$0x0] =	vst v0;
	s31 =	smov.u32 s29  }
0x227: {  	v0 =	vld [tilespmem:s0+$0xA400]  }
0x228: {  	v1 =	vld [tilespmem:s0+$0xA480];
	_ =	sdelay $0x1  }
0x229: {  	v2 =	vld [tilespmem:s0+$0xA500];
	_ =	sdelay $0x1  }
0x22a: {  	v3 =	vld [tilespmem:s0+$0xA580]  }
0x22b: {  	v0 =	vadd.f32 v1, v0  }
0x22c: {  	v1 =	vld [tilespmem:s0+$0xA600]  }
0x22d: {  	v0 =	vadd.f32 v2, v0  }
0x22e: {  	v2 =	vld [tilespmem:s0+$0xA680]  }
0x22f: {  	v0 =	vadd.f32 v3, v0  }
0x230: {  	v3 =	vld [tilespmem:s0+$0xA700]  }
0x231: {  	v0 =	vadd.f32 v1, v0  }
0x232: {  	v1 =	vld [tilespmem:s0+$0xA780]  }
0x233: {  	v0 =	vadd.f32 v2, v0  }
0x234: {  	v2 =	vld [tilespmem:s0+$0xA800]  }
0x235: {  	v0 =	vadd.f32 v3, v0  }
0x236: {  	v3 =	vld [tilespmem:s0+$0xA880]  }
0x237: {  	v0 =	vadd.f32 v1, v0  }
0x238: {  	v1 =	vld [tilespmem:s0+$0xA900]  }
0x239: {  	v0 =	vadd.f32 v2, v0  }
0x23a: {  	v2 =	vld [tilespmem:s0+$0xA980]  }
0x23b: {  	v0 =	vadd.f32 v3, v0  }
0x23c: {  	v3 =	vld [tilespmem:s0+$0xAA00]  }
0x23d: {  	v0 =	vadd.f32 v1, v0  }
0x23e: {  	v1 =	vld [tilespmem:s0+$0xAA80]  }
0x23f: {  	v0 =	vadd.f32 v2, v0  }
0x240: {  	v2 =	vld [tilespmem:s0+$0xAB00]  }
0x241: {  	v0 =	vadd.f32 v3, v0  }
0x242: {  	v3 =	vld [tilespmem:s0+$0xAB80]  }
0x243: {  	v0 =	vadd.f32 v1, v0  }
0x244: {  	v1 =	vld [tilespmem:s0+$0xAC00]  }
0x245: {  	v0 =	vadd.f32 v2, v0  }
0x246: {  	v2 =	vld [tilespmem:s0+$0xAC80]  }
0x247: {  	v0 =	vadd.f32 v3, v0  }
0x248: {  	v3 =	vld [tilespmem:s0+$0xAD00]  }
0x249: {  	v0 =	vadd.f32 v1, v0  }
0x24a: {  	v1 =	vld [tilespmem:s0+$0xAD80]  }
0x24b: {  	v0 =	vadd.f32 v2, v0;
	_ =	sdelay $0x1  }
0x24c: {  	v0 =	vadd.f32 v3, v0;
	_ =	sdelay $0x1  }
0x24d: {  	v0 =	vadd.f32 v1, v0;
	_ =	sdelay $0x1  }
0x24e: {  	v0 =	vmul.f32 $5.000000070e-02, v0;
	_ =	sdelay $0x1  }
0x24f: {  	[tilespmem:s29+$0xFFFFFFD0] =	vst v0  }
0x250: {  	v0 =	vld [tilespmem:s0+$0xA410]  }
0x251: {  	v1 =	vld [tilespmem:s0+$0xA490];
	_ =	sdelay $0x1  }
0x252: {  	v2 =	vld [tilespmem:s0+$0xA510];
	_ =	sdelay $0x1  }
0x253: {  	v3 =	vld [tilespmem:s0+$0xA590]  }
0x254: {  	v0 =	vadd.f32 v1, v0  }
0x255: {  	v1 =	vld [tilespmem:s0+$0xA610]  }
0x256: {  	v0 =	vadd.f32 v2, v0  }
0x257: {  	v2 =	vld [tilespmem:s0+$0xA690]  }
0x258: {  	v0 =	vadd.f32 v3, v0  }
0x259: {  	v3 =	vld [tilespmem:s0+$0xA710]  }
0x25a: {  	v0 =	vadd.f32 v1, v0  }
0x25b: {  	v1 =	vld [tilespmem:s0+$0xA790]  }
0x25c: {  	v0 =	vadd.f32 v2, v0  }
0x25d: {  	v2 =	vld [tilespmem:s0+$0xA810]  }
0x25e: {  	v0 =	vadd.f32 v3, v0  }
0x25f: {  	v3 =	vld [tilespmem:s0+$0xA890]  }
0x260: {  	v0 =	vadd.f32 v1, v0  }
0x261: {  	v1 =	vld [tilespmem:s0+$0xA910]  }
0x262: {  	v0 =	vadd.f32 v2, v0  }
0x263: {  	v2 =	vld [tilespmem:s0+$0xA990]  }
0x264: {  	v0 =	vadd.f32 v3, v0  }
0x265: {  	v3 =	vld [tilespmem:s0+$0xAA10]  }
0x266: {  	v0 =	vadd.f32 v1, v0  }
0x267: {  	v1 =	vld [tilespmem:s0+$0xAA90]  }
0x268: {  	v0 =	vadd.f32 v2, v0  }
0x269: {  	v2 =	vld [tilespmem:s0+$0xAB10]  }
0x26a: {  	v0 =	vadd.f32 v3, v0  }
0x26b: {  	v3 =	vld [tilespmem:s0+$0xAB90]  }
0x26c: {  	v0 =	vadd.f32 v1, v0  }
0x26d: {  	v1 =	vld [tilespmem:s0+$0xAC10]  }
0x26e: {  	v0 =	vadd.f32 v2, v0  }
0x26f: {  	v2 =	vld [tilespmem:s0+$0xAC90]  }
0x270: {  	v0 =	vadd.f32 v3, v0  }
0x271: {  	v3 =	vld [tilespmem:s0+$0xAD10]  }
0x272: {  	v0 =	vadd.f32 v1, v0  }
0x273: {  	v1 =	vld [tilespmem:s0+$0xAD90]  }
0x274: {  	v0 =	vadd.f32 v2, v0;
	_ =	sdelay $0x1  }
0x275: {  	v0 =	vadd.f32 v3, v0;
	_ =	sdelay $0x1  }
0x276: {  	v0 =	vadd.f32 v1, v0;
	_ =	sdelay $0x1  }
0x277: {  	v0 =	vmul.f32 $5.000000070e-02, v0;
	_ =	sdelay $0x1  }
0x278: {  	[tilespmem:s29+$0xFFFFFFE0] =	vst v0  }
0x279: {  	v0 =	vld [tilespmem:s0+$0xA420]  }
0x27a: {  	v1 =	vld [tilespmem:s0+$0xA4A0];
	_ =	sdelay $0x1  }
0x27b: {  	v2 =	vld [tilespmem:s0+$0xA520];
	_ =	sdelay $0x1  }
0x27c: {  	v3 =	vld [tilespmem:s0+$0xA5A0]  }
0x27d: {  	v0 =	vadd.f32 v1, v0  }
0x27e: {  	v1 =	vld [tilespmem:s0+$0xA620]  }
0x27f: {  	v0 =	vadd.f32 v2, v0  }
0x280: {  	v2 =	vld [tilespmem:s0+$0xA6A0]  }
0x281: {  	v0 =	vadd.f32 v3, v0  }
0x282: {  	v3 =	vld [tilespmem:s0+$0xA720]  }
0x283: {  	v0 =	vadd.f32 v1, v0  }
0x284: {  	v1 =	vld [tilespmem:s0+$0xA7A0]  }
0x285: {  	v0 =	vadd.f32 v2, v0  }
0x286: {  	v2 =	vld [tilespmem:s0+$0xA820]  }
0x287: {  	v0 =	vadd.f32 v3, v0  }
0x288: {  	v3 =	vld [tilespmem:s0+$0xA8A0]  }
0x289: {  	v0 =	vadd.f32 v1, v0  }
0x28a: {  	v1 =	vld [tilespmem:s0+$0xA920]  }
0x28b: {  	v0 =	vadd.f32 v2, v0  }
0x28c: {  	v2 =	vld [tilespmem:s0+$0xA9A0]  }
0x28d: {  	v0 =	vadd.f32 v3, v0  }
0x28e: {  	v3 =	vld [tilespmem:s0+$0xAA20]  }
0x28f: {  	v0 =	vadd.f32 v1, v0  }
0x290: {  	v1 =	vld [tilespmem:s0+$0xAAA0]  }
0x291: {  	v0 =	vadd.f32 v2, v0  }
0x292: {  	v2 =	vld [tilespmem:s0+$0xAB20]  }
0x293: {  	v0 =	vadd.f32 v3, v0  }
0x294: {  	v3 =	vld [tilespmem:s0+$0xABA0]  }
0x295: {  	v0 =	vadd.f32 v1, v0  }
0x296: {  	v1 =	vld [tilespmem:s0+$0xAC20]  }
0x297: {  	v0 =	vadd.f32 v2, v0  }
0x298: {  	v2 =	vld [tilespmem:s0+$0xACA0]  }
0x299: {  	v0 =	vadd.f32 v3, v0  }
0x29a: {  	v3 =	vld [tilespmem:s0+$0xAD20]  }
0x29b: {  	v0 =	vadd.f32 v1, v0  }
0x29c: {  	v1 =	vld [tilespmem:s0+$0xADA0]  }
0x29d: {  	v0 =	vadd.f32 v2, v0;
	_ =	sdelay $0x1  }
0x29e: {  	v0 =	vadd.f32 v3, v0;
	_ =	sdelay $0x1  }
0x29f: {  	v0 =	vadd.f32 v1, v0;
	_ =	sdelay $0x1  }
0x2a0: {  	v0 =	vmul.f32 $5.000000070e-02, v0;
	_ =	sdelay $0x1  }
0x2a1: {  	[tilespmem:s29+$0xFFFFFFF0] =	vst v0  }
0x2a2: {  	v0 =	vld [tilespmem:s0+$0xA430]  }
0x2a3: {  	v1 =	vld [tilespmem:s0+$0xA4B0]  }
0x2a4: {  	v2 =	vld [tilespmem:s0+$0xA530]  }
0x2a5: {  	v3 =	vld [tilespmem:s0+$0xA5B0]  }
0x2a6: {  	v4 =	vld [tilespmem:s0+$0xA630]  }
0x2a7: {  	v5 =	vld [tilespmem:s0+$0xA6B0]  }
0x2a8: {  	v0 =	vadd.f32 v1, v0;
	v1 =	vld [tilespmem:s0+$0xA730]  }
0x2a9: {  	v6 =	vld [tilespmem:s0+$0xA7B0]  }
0x2aa: {  	v0 =	vadd.f32 v2, v0;
	v2 =	vld [tilespmem:s0+$0xA830]  }
0x2ab: {  	v7 =	vld [tilespmem:s0+$0xA8B0]  }
0x2ac: {  	v0 =	vadd.f32 v3, v0;
	v3 =	vld [tilespmem:s0+$0xA930]  }
0x2ad: {  	v8 =	vld [tilespmem:s0+$0xA9B0]  }
0x2ae: {  	v0 =	vadd.f32 v4, v0;
	v4 =	vld [tilespmem:s0+$0xAA30]  }
0x2af: {  	v9 =	vld [tilespmem:s0+$0xAAB0]  }
0x2b0: {  	v0 =	vadd.f32 v5, v0;
	v5 =	vld [tilespmem:s0+$0xAB30]  }
0x2b1: {  	v10 =	vld [tilespmem:s0+$0xABB0]  }
0x2b2: {  	v0 =	vadd.f32 v1, v0;
	v1 =	vld [tilespmem:s0+$0xAC30]  }
0x2b3: {  	v11 =	vld [tilespmem:s0+$0xACB0]  }
0x2b4: {  	v6 =	vadd.f32 v6, v0;
	v12 =	vld [tilespmem:s0+$0xAD30]  }
0x2b5: {  	v0 =	vld [tilespmem:s0+$0xADB0]  }
0x2b6: {  	v2 =	vadd.f32 v2, v6;
	_ =	sdelay $0x1  }
0x2b7: {  	v2 =	vadd.f32 v7, v2;
	_ =	sdelay $0x1  }
0x2b8: {  	v2 =	vadd.f32 v3, v2;
	_ =	sdelay $0x1  }
0x2b9: {  	v2 =	vadd.f32 v8, v2;
	_ =	sdelay $0x1  }
0x2ba: {  	v2 =	vadd.f32 v4, v2;
	_ =	sdelay $0x1  }
0x2bb: {  	v2 =	vadd.f32 v9, v2;
	_ =	sdelay $0x1  }
0x2bc: {  	v2 =	vadd.f32 v5, v2;
	_ =	sdelay $0x1  }
0x2bd: {  	v2 =	vadd.f32 v10, v2;
	_ =	sdelay $0x1  }
.Ltmp1:
0x2be: {  	v1 =	vadd.f32 v1, v2;
	(pc) =	sbr.rel @p0 .LBB2_4-.Ltmp1, $3  }
0x2bf: {  	_ = 	snop  }
0x2c0: {  	v1 =	vadd.f32 v11, v1;
	_ =	sdelay $0x1  }
0x2c1: {  	v1 =	vadd.f32 v12, v1  }
0x2c2: {  	_ = 	snop  }
0x2c3: {  	v0 =	vadd.f32 v0, v1;
	_ =	sdelay $0x1  }
0x2c4: {  	s28 =	sadd.s32 $0x1, s28;
	v0 =	vmul.f32 $5.000000070e-02, v0  }
0x2c5: {  	p0 =	sne.s32 s28, s6  }
.Ltmp2:
0x2c6: {  	[tilespmem:s31+$0x0] =	vst v0;
	(pc) =	sbr.rel @p0 .LBB2_1-.Ltmp2, $4  }
0x2c7: {  	[hbm4b:s5+s2] =	stream.linear.scatter [tilespmem:s26], [sflag:$0x3], $0x1000, $0x38;
	[tilespmem:$0x15400] =	vst v63  }
0x2c8: {  	_ =	swait.ge [sflag:s7], $0x1000  }
0x2c9: {  	[sflag:s7] =	ssyncset.done $0x0  }
0x2ca: {  	[sflag:s7] =	ssyncadd.s32 $0xFFFFF000  }
0x2cb: {  	_ =	sfence.sel $0x180000  }
0x2cc: {  	[bflag:$0x0] =	sbarrier.arrive $0xFFFF  }
0x2cd: {  	_ =	strace $0x90000047  }
0x2ce: {  	[bflag:$0x2] =	sbarrier.arrive $0xFFFF  }
0x2cf: {  	p0 =	sne.s32 s1, $0x0;
	s0 =	rddreg [dreg:$0x2]  }
0x2d0: {  	s0 =	sadd.s32 @!p0 $0x100000, s0  }
0x2d1: {  	[sflag:s0] =	ssyncadd.tile.s32 @!p0 $0x1;
	_ =	shalt  }
.Lfunc_end2:
_tile_overlayer_lowered:
.L_overlay_start_2:
0x2d2: {  	(tag) =	ssettag $0x2  }
0x2d3: {  	s0 =	rddreg [dreg:$0x0];
	s2 =	stileid.u32  }
0x2d4: {  	s1 =	rddreg [dreg:$0x1];
	p0 =	sne.s32 s2, $0x0  }
0x2d5: {  	s3 =	rddreg [dreg:$0x2];
	[bflag:$0x3] =	sbarrier.arrive $0xFFFF;
	s2 =	simm.s32 @!p0 $0x1C03  }
0x2d6: {  	[timem:s3], [sflag:s2] =	dma.local @!p0 [hbm:s0], s1  }
0x2d7: {  	s0 =	simm.s32 @!p0 $0x3  }
0x2d8: {  	_ =	swait.ge @!p0 [sflag:s0], s1  }
0x2d9: {  	s1 =	ssub.s32 @!p0 $0x0, s1;
	[sflag:s0] =	ssyncset.done @!p0 $0x0  }
0x2da: {  	[sflag:s0] =	ssyncadd.s32 @!p0 s1  }
0x2db: {  	[bflag:$0x3] =	sbarrier.arrive $0xFFFF  }
0x2dc: {  	_ =	shalt  }

</sc_bundles>
